<compile_context>
chip_gen: v7x
topology: tpu7x:2x2x1
jax: 0.10.2.dev20260603
libtpu: 0.0.44.dev20260713+nightly
codegen_flags: <defaults>
</compile_context>

<pallas_src>
import functools

import jax
import jax.numpy as jnp
from jax import lax
from jax.experimental import pallas as pl
from jax.experimental.pallas import tpu as pltpu
from jax.experimental.pallas import tpu_sc as plsc

_K = 10
_BETA = 0.15
_QB = 4
_ROWS = 3200


def _rerank_one(idx_row, ids_row, v_row, v_col, xq):
    m = xq.shape[0]
    sub = lax.broadcasted_iota(jnp.int32, (m, m), 0)
    lane = lax.broadcasted_iota(jnp.int32, (m, m), 1)

    sel_iota = lax.broadcasted_iota(jnp.int32, (m, _K), 0)
    mask = jnp.any(sel_iota == idx_row[:, :_K], axis=1, keepdims=True)
    x1 = jnp.max(jnp.where(mask, xq, -jnp.inf), axis=0, keepdims=True)

    x1_8 = jnp.broadcast_to(x1.astype(jnp.bfloat16), (8, x1.shape[1]))
    s_col = lax.dot_general(
        xq.astype(jnp.bfloat16), x1_8,
        (((1,), (1,)), ((), ())),
        preferred_element_type=jnp.float32,
    )[:, 0:1]

    g_row = jnp.sum(jnp.where(sub == idx_row, s_col, 0.0),
                    axis=0, keepdims=True)

    gt = jnp.where(v_row > v_col, 1, 0)
    eq = jnp.where((v_row == v_col) & (lane < sub), 1, 0)
    rank2_col = jnp.sum(gt + eq, axis=1, keepdims=True)
    sorted_row = jnp.sum(jnp.where(rank2_col == lane, v_col, 0.0),
                         axis=0, keepdims=True)

    rr_row = (sorted_row + g_row) * 0.5
    rr_col = jnp.sum(jnp.where(sub == lane, rr_row, 0.0),
                     axis=1, keepdims=True)

    r_gt = jnp.where(rr_col > rr_row, 1, 0)
    r_eq = jnp.where((rr_col == rr_row) & (sub < lane), 1, 0)
    rank3_row = jnp.sum(r_gt + r_eq, axis=0, keepdims=True)

    return jnp.sum(jnp.where(rank3_row == sub, ids_row, 0),
                   axis=1, keepdims=True)


def _body(idx_ref, ids_ref, vrow_ref, vcol_ref, x_ref, out_ref, head_ref):
    i = pl.program_id(0)
    ni = pl.num_programs(0)

    @pl.when(i == 0)
    def _():
        head_ref[...] = jnp.zeros_like(head_ref)

    qlane = lax.broadcasted_iota(jnp.int32, head_ref.shape, 1)
    acc = jnp.zeros(head_ref.shape, jnp.int32)
    for t in range(_QB):
        col = _rerank_one(idx_ref[t], ids_ref[t], vrow_ref[t], vcol_ref[t],
                          x_ref[t])
        acc = acc + jnp.where(qlane == _QB * i + t, col, 0)
    head_ref[...] += acc

    @pl.when(i == ni - 1)
    def _():
        out_ref[...] = head_ref[...]


def _join_body(out0_ref, head_ref, out_ref):
    out_ref[...] = head_ref[...]


@jax.jit
def kernel(ranks, rerank_dba_final, res_top1000_dba, ranks_trans_1000_pre, x_dba):
    n, q = ranks.shape
    _, m, d = x_dba.shape

    idx3 = ranks_trans_1000_pre.reshape(q, 1, m)
    ids3 = rerank_dba_final.reshape(q, 1, m)
    vrow3 = res_top1000_dba.reshape(q, 1, m)
    vcol3 = res_top1000_dba.reshape(q, m, 1)

    head = pl.pallas_call(
        _body,
        grid=(q // _QB,),
        in_specs=[
            pl.BlockSpec((_QB, 1, m), lambda i: (i, 0, 0)),
            pl.BlockSpec((_QB, 1, m), lambda i: (i, 0, 0)),
            pl.BlockSpec((_QB, 1, m), lambda i: (i, 0, 0)),
            pl.BlockSpec((_QB, m, 1), lambda i: (i, 0, 0)),
            pl.BlockSpec((_QB, m, d), lambda i: (i, 0, 0)),
        ],
        out_specs=pl.BlockSpec((m, q), lambda i: (0, 0)),
        out_shape=jax.ShapeDtypeStruct((m, q), jnp.int32),
        scratch_shapes=[pltpu.VMEM((m, q), jnp.int32)],
    )(idx3, ids3, vrow3, vcol3, x_dba)

    mesh = plsc.ScalarSubcoreMesh(axis_name="core", num_cores=2)

    @functools.partial(
        pl.kernel,
        out_type=jax.ShapeDtypeStruct((n, q), jnp.int32),
        mesh=mesh,
        scratch_types=[pltpu.SemaphoreType.DMA],
    )
    def _sc_tail_copy(ranks_hbm, out_hbm, sem):
        c = lax.axis_index("core")
        half = (n - m) // 2
        start = m + c * half
        pltpu.async_copy(
            ranks_hbm.at[pl.ds(start, half)],
            out_hbm.at[pl.ds(start, half)],
            sem,
        ).wait()

    out0 = _sc_tail_copy(ranks)

    out = pl.pallas_call(
        _join_body,
        grid=(1,),
        in_specs=[
            pl.BlockSpec((m, q), lambda i: (0, 0)),
            pl.BlockSpec((m, q), lambda i: (0, 0)),
        ],
        out_specs=pl.BlockSpec((m, q), lambda i: (0, 0)),
        out_shape=jax.ShapeDtypeStruct((n, q), jnp.int32),
        input_output_aliases={0: 0},
    )(out0, head)
    return out

# --- scband reference (transcript-rebuilt; emitter-appended) ---
"""Pipeline reference for scband-rerankw-mda-77584289234963 (READ-ONLY COPY).

The authoritative reference and input builder live on the scoring server;
editing this copy changes nothing except your own understanding.
"""

import jax, jax.numpy as jnp
import numpy as np

N, Q, M, D = 100000, 128, 400, 1024
K = 9 + 1
BETA = 0.15


def setup_inputs(seed: int = 0) -> dict:
    key = jax.random.key(seed)
    k1, k2, k3, k4, k5 = jax.random.split(key, 5)
    ranks = jax.random.randint(k1, (N, Q), 0, N, dtype=jnp.int32)
    rerank_dba_final = jax.random.randint(k2, (Q, M), 0, N, dtype=jnp.int32)
    res_top1000_dba = jax.random.normal(k3, (Q, M), dtype=jnp.float32)
    ranks_trans_1000_pre = jax.random.randint(k4, (Q, M), 0, M, dtype=jnp.int32)
    x_dba = jax.random.normal(k5, (Q, M, D), dtype=jnp.float32)
    return {
        "ranks": ranks,
        "rerank_dba_final": rerank_dba_final,
        "res_top1000_dba": res_top1000_dba,
        "ranks_trans_1000_pre": ranks_trans_1000_pre,
        "x_dba": x_dba,
    }


def reference(ranks, rerank_dba_final, res_top1000_dba, ranks_trans_1000_pre, x_dba):
    # torch.stack(list) -> array already stacked
    ranks_trans_1000 = rerank_dba_final  # (q, M)
    ranks_value_trans_1000 = -jnp.sort(-res_top1000_dba, axis=-1)  # (q, M) descending
    q, m, d = x_dba.shape
    ranks_trans = ranks_trans_1000_pre[:, :K][:, :, None]  # (q, K, 1)
    # kept for faithfulness to the original forward (dead value in original too)
    ranks_value_trans = ranks_value_trans_1000[:, :K][:, :, None] * BETA
    X1 = jnp.take_along_axis(x_dba, jnp.broadcast_to(ranks_trans, (q, K, d)), axis=1)
    X2 = jnp.take_along_axis(
        x_dba, jnp.broadcast_to(ranks_trans_1000_pre[:, :, None], (q, m, d)), axis=1
    )
    X1 = jnp.max(X1, axis=1, keepdims=True)  # (q, 1, d) max-descriptor aggregation
    res_rerank = jnp.sum(jnp.einsum('abc,adc->abd', X1, X2), axis=1)  # (q, M)
    res_rerank = (ranks_value_trans_1000 + res_rerank) / 2.0
    res_rerank_ranks = jnp.argsort(-res_rerank, axis=-1)  # (q, M)
    reordered = jnp.take_along_axis(ranks_trans_1000, res_rerank_ranks, axis=1)  # (q, M)
    ranks_transpose = jnp.transpose(ranks, (1, 0))[:, M:]  # (q, N-M)
    ranks_final = jnp.transpose(jnp.concatenate([reordered, ranks_transpose], axis=1), (1, 0))
    return ranks_final  # (N, q)

if __name__ == "__main__":
    import jax
    _d = setup_inputs()
    print(jax.jit(kernel)(*tuple(_d.values())))

</pallas_src>

<mosaic_0001>
#map = affine_map<(d0) -> (0, 0)>
module attributes {stable_mosaic.version = 14 : i64} {
  func.func @_sc_tail_copy(%arg0: i32, %arg1: memref<100000x128xi32, #tpu.memory_space<hbm>>, %arg2: memref<100000x128xi32, #tpu.memory_space<hbm>>, %arg3: memref<!tpu.dma_semaphore, #tpu.memory_space<semaphore_mem>>) attributes {dimension_semantics = [#tpu.dimension_semantics<core_parallel>], iteration_bounds = array<i64: 2>, scalar_prefetch = 0 : i64, scratch_operands = 1 : i64, tpu.core_type = #tpu.core_type<sc_scalar_subcore>, window_params = [{transform_indices = #map}, {transform_indices = #map}]} {
    %mul3A = arith.constant 49800 : i32
    %mul3A_0 = arith.muli %arg0, %mul3A : i32
    %add3A = arith.constant 400 : i32
    %add3A_1 = arith.addi %add3A, %mul3A_0 : i32
    %dma_start3A = arith.constant 0 : i32
    %dma_start3A_2 = tpu.memref_slice %arg2[%add3A_1, %dma_start3A] : memref<100000x128xi32, #tpu.memory_space<hbm>> -> memref<49800x128xi32, #tpu.memory_space<hbm>>
    %dma_start3A_3 = arith.constant 0 : i32
    %dma_start3A_4 = tpu.memref_slice %arg1[%add3A_1, %dma_start3A_3] : memref<100000x128xi32, #tpu.memory_space<hbm>> -> memref<49800x128xi32, #tpu.memory_space<hbm>>
    tpu.enqueue_dma source(%dma_start3A_4 : memref<49800x128xi32, #tpu.memory_space<hbm>>) target(%dma_start3A_2 : memref<49800x128xi32, #tpu.memory_space<hbm>>) target_semaphore(%arg3 : memref<!tpu.dma_semaphore, #tpu.memory_space<semaphore_mem>>)
    %dma_wait3A = arith.constant 0 : i32
    %dma_wait3A_5 = tpu.memref_slice %arg2[%add3A_1, %dma_wait3A] : memref<100000x128xi32, #tpu.memory_space<hbm>> -> memref<49800x128xi32, #tpu.memory_space<hbm>>
    %dma_wait3A_6 = arith.constant 0 : i32
    %dma_wait3A_7 = tpu.memref_slice %arg1[%add3A_1, %dma_wait3A_6] : memref<100000x128xi32, #tpu.memory_space<hbm>> -> memref<49800x128xi32, #tpu.memory_space<hbm>>
    tpu.wait_dma2 semaphore(%arg3 : memref<!tpu.dma_semaphore, #tpu.memory_space<semaphore_mem>>) src(%dma_wait3A_7 : memref<49800x128xi32, #tpu.memory_space<hbm>>) dst(%dma_wait3A_5 : memref<49800x128xi32, #tpu.memory_space<hbm>>)
    return
  }
}

module attributes {stable_mosaic.version = 14 : i64} {
  func.func @_body(%arg0: i32, %arg1: memref<4x1x400xi32, #tpu.memory_space<vmem>>, %arg2: memref<4x1x400xi32, #tpu.memory_space<vmem>>, %arg3: memref<4x1x400xf32, #tpu.memory_space<vmem>>, %arg4: memref<4x400x1xf32, #tpu.memory_space<vmem>>, %arg5: memref<4x400x1024xf32, #tpu.memory_space<vmem>>, %arg6: memref<400x128xi32, #tpu.memory_space<vmem>>, %arg7: memref<400x128xi32, #tpu.memory_space<vmem>>) attributes {dimension_semantics = [#tpu.dimension_semantics<arbitrary>], iteration_bounds = array<i64: 32>, scalar_prefetch = 0 : i64, scratch_operands = 1 : i64, tpu.core_type = #tpu.core_type<tc>, window_params = [{transform_indices = @transform_0, window_bounds = array<i64: 4, 1, 400>}, {transform_indices = @transform_1, window_bounds = array<i64: 4, 1, 400>}, {transform_indices = @transform_2, window_bounds = array<i64: 4, 1, 400>}, {transform_indices = @transform_3, window_bounds = array<i64: 4, 400, 1>}, {transform_indices = @transform_4, window_bounds = array<i64: 4, 400, 1024>}, {pipeline_mode = #tpu.pipeline_mode<synchronous>, transform_indices = @transform_5, window_bounds = array<i64: 400, 128>}]} {
    %eq3A = arith.constant 0 : i32
    %eq3A_0 = arith.cmpi eq, %arg0, %eq3A : i32
    %convert_element_type3A = arith.extui %eq3A_0 : i1 to i32
    %cond3A = arith.constant 0 : i32
    %cond3A_1 = arith.cmpi ne, %convert_element_type3A, %cond3A : i32
    scf.if %cond3A_1 {
      %broadcast_in_dim3A_625 = arith.constant 0 : i32
      %broadcast_in_dim3A_626 = vector.broadcast %broadcast_in_dim3A_625 : i32 to vector<400x128xi32>
      %swap3A_627 = arith.constant 0 : index
      %swap3A_628 = arith.constant 0 : index
      %swap3A_629 = vector.load %arg7[%swap3A_627, %swap3A_628] : memref<400x128xi32, #tpu.memory_space<vmem>>, vector<400x128xi32>
      tpu.vector_store %arg7[%swap3A_627, %swap3A_628], %broadcast_in_dim3A_626 {strides = array<i32>} : memref<400x128xi32, #tpu.memory_space<vmem>>, vector<400x128xi32>,
    } else {
    }
    %iota3A = tpu.iota {dimensions = array<i32: 1>} : vector<400x128xi32>
    %broadcast_in_dim3A = arith.constant 0 : i32
    %broadcast_in_dim3A_2 = vector.broadcast %broadcast_in_dim3A : i32 to vector<400x128xi32>
    %get3A = arith.constant 0 : index
    %get3A_3 = arith.constant 0 : index
    %get3A_4 = arith.constant 0 : index
    %get3A_5 = vector.load %arg1[%get3A, %get3A_3, %get3A_4] : memref<4x1x400xi32, #tpu.memory_space<vmem>>, vector<1x1x400xi32>
    %get3A_6 = vector.shape_cast %get3A_5 : vector<1x1x400xi32> to vector<1x400xi32>
    %get3A_7 = arith.constant 0 : index
    %get3A_8 = arith.constant 0 : index
    %get3A_9 = arith.constant 0 : index
    %get3A_10 = vector.load %arg2[%get3A_7, %get3A_8, %get3A_9] : memref<4x1x400xi32, #tpu.memory_space<vmem>>, vector<1x1x400xi32>
    %get3A_11 = vector.shape_cast %get3A_10 : vector<1x1x400xi32> to vector<1x400xi32>
    %get3A_12 = arith.constant 0 : index
    %get3A_13 = arith.constant 0 : index
    %get3A_14 = arith.constant 0 : index
    %get3A_15 = vector.load %arg3[%get3A_12, %get3A_13, %get3A_14] : memref<4x1x400xf32, #tpu.memory_space<vmem>>, vector<1x1x400xf32>
    %get3A_16 = vector.shape_cast %get3A_15 : vector<1x1x400xf32> to vector<1x400xf32>
    %get3A_17 = arith.constant 0 : index
    %get3A_18 = arith.constant 0 : index
    %get3A_19 = arith.constant 0 : index
    %get3A_20 = vector.load %arg4[%get3A_17, %get3A_18, %get3A_19] : memref<4x400x1xf32, #tpu.memory_space<vmem>>, vector<1x400x1xf32>
    %get3A_21 = vector.shape_cast %get3A_20 : vector<1x400x1xf32> to vector<400x1xf32>
    %get3A_22 = arith.constant 0 : index
    %get3A_23 = arith.constant 0 : index
    %get3A_24 = arith.constant 0 : index
    %get3A_25 = vector.load %arg5[%get3A_22, %get3A_23, %get3A_24] : memref<4x400x1024xf32, #tpu.memory_space<vmem>>, vector<1x400x1024xf32>
    %get3A_26 = vector.shape_cast %get3A_25 : vector<1x400x1024xf32> to vector<400x1024xf32>
    %iota3A_27 = tpu.iota {dimensions = array<i32: 0>} : vector<400x400xi32>
    %iota3A_28 = tpu.iota {dimensions = array<i32: 1>} : vector<400x400xi32>
    %iota3A_29 = tpu.iota {dimensions = array<i32: 0>} : vector<400x10xi32>
    %slice3A = vector.extract_strided_slice %get3A_6 {offsets = [0, 0], sizes = [1, 10], strides = [1, 1]} : vector<1x400xi32> to vector<1x10xi32>
    %eq3A_30 = vector.broadcast %slice3A : vector<1x10xi32> to vector<400x10xi32>
    %eq3A_31 = arith.cmpi eq, %iota3A_29, %eq3A_30 : vector<400x10xi32>
    %reduce_or3A = arith.constant 1.000000e+00 : f32
    %reduce_or3A_32 = arith.constant 0.000000e+00 : f32
    %reduce_or3A_33 = vector.broadcast %reduce_or3A : f32 to vector<400x10xf32>
    %reduce_or3A_34 = vector.broadcast %reduce_or3A_32 : f32 to vector<400x10xf32>
    %reduce_or3A_35 = arith.select %eq3A_31, %reduce_or3A_33, %reduce_or3A_34 : vector<400x10xi1>, vector<400x10xf32>
    %reduce_or3A_36 = arith.constant dense<0xFF800000> : vector<400xf32>
    %reduce_or3A_37 = vector.multi_reduction <maximumf>, %reduce_or3A_35, %reduce_or3A_36 [1] : vector<400x10xf32> to vector<400xf32>
    %reduce_or3A_38 = arith.constant 0.000000e+00 : f32
    %reduce_or3A_39 = vector.broadcast %reduce_or3A_38 : f32 to vector<400xf32>
    %reduce_or3A_40 = arith.cmpf ogt, %reduce_or3A_37, %reduce_or3A_39 : vector<400xf32>
    %broadcast_in_dim3A_41 = vector.shape_cast %reduce_or3A_40 : vector<400xi1> to vector<400x1xi1>
    %jit3A = arith.constant 0xFF800000 : f32
    %broadcast_in_dim3A_42 = vector.shape_cast %broadcast_in_dim3A_41 : vector<400x1xi1> to vector<400x1xi1>
    %broadcast_in_dim3A_43 = vector.broadcast %broadcast_in_dim3A_42 : vector<400x1xi1> to vector<400x1024xi1>
    %broadcast_in_dim3A_44 = vector.broadcast %jit3A : f32 to vector<400x1024xf32>
    %select_n3A = arith.select %broadcast_in_dim3A_43, %get3A_26, %broadcast_in_dim3A_44 : vector<400x1024xi1>, vector<400x1024xf32>
    %reduce_max3A = arith.constant dense<0xFF800000> : vector<1024xf32>
    %reduce_max3A_45 = vector.multi_reduction <maximumf>, %select_n3A, %reduce_max3A [0] : vector<400x1024xf32> to vector<1024xf32>
    %broadcast_in_dim3A_46 = vector.shape_cast %reduce_max3A_45 : vector<1024xf32> to vector<1x1024xf32>
    %convert_element_type3A_47 = arith.truncf %broadcast_in_dim3A_46 : vector<1x1024xf32> to vector<1x1024xbf16>
    %broadcast_in_dim3A_48 = vector.shape_cast %convert_element_type3A_47 : vector<1x1024xbf16> to vector<1x1024xbf16>
    %broadcast_in_dim3A_49 = vector.broadcast %broadcast_in_dim3A_48 : vector<1x1024xbf16> to vector<8x1024xbf16>
    %convert_element_type3A_50 = arith.truncf %get3A_26 : vector<400x1024xf32> to vector<400x1024xbf16>
    %dot_general3A = arith.constant dense<0.000000e+00> : vector<400x8xf32>
    %dot_general3A_51 = tpu.matmul %convert_element_type3A_50, %broadcast_in_dim3A_49, %dot_general3A {dimension_numbers = #tpu.dot_dimension_numbers<[1], [1], [0], [0], [0, 0, 1, 0], [], []>, transpose_lhs_hint = false} : vector<400x1024xbf16>, vector<8x1024xbf16>, vector<400x8xf32> -> vector<400x8xf32>
    %slice3A_52 = vector.extract_strided_slice %dot_general3A_51 {offsets = [0, 0], sizes = [400, 1], strides = [1, 1]} : vector<400x8xf32> to vector<400x1xf32>
    %eq3A_53 = vector.broadcast %get3A_6 : vector<1x400xi32> to vector<400x400xi32>
    %eq3A_54 = arith.cmpi eq, %iota3A_27, %eq3A_53 : vector<400x400xi32>
    %jit3A_55 = arith.constant 0.000000e+00 : f32
    %broadcast_in_dim3A_56 = vector.shape_cast %slice3A_52 : vector<400x1xf32> to vector<400x1xf32>
    %broadcast_in_dim3A_57 = vector.broadcast %broadcast_in_dim3A_56 : vector<400x1xf32> to vector<400x400xf32>
    %broadcast_in_dim3A_58 = vector.broadcast %jit3A_55 : f32 to vector<400x400xf32>
    %select_n3A_59 = arith.select %eq3A_54, %broadcast_in_dim3A_57, %broadcast_in_dim3A_58 : vector<400x400xi1>, vector<400x400xf32>
    %reduce_sum3A = arith.constant dense<0.000000e+00> : vector<400xf32>
    %reduce_sum3A_60 = vector.multi_reduction <add>, %select_n3A_59, %reduce_sum3A [0] : vector<400x400xf32> to vector<400xf32>
    %broadcast_in_dim3A_61 = vector.shape_cast %reduce_sum3A_60 : vector<400xf32> to vector<1x400xf32>
    %gt3A = vector.broadcast %get3A_16 : vector<1x400xf32> to vector<400x400xf32>
    %gt3A_62 = vector.broadcast %get3A_21 : vector<400x1xf32> to vector<400x400xf32>
    %gt3A_63 = arith.cmpf ogt, %gt3A, %gt3A_62 : vector<400x400xf32>
    %jit3A_64 = arith.constant 1 : i32
    %jit3A_65 = arith.constant 0 : i32
    %broadcast_in_dim3A_66 = vector.broadcast %jit3A_64 : i32 to vector<400x400xi32>
    %broadcast_in_dim3A_67 = vector.broadcast %jit3A_65 : i32 to vector<400x400xi32>
    %select_n3A_68 = arith.select %gt3A_63, %broadcast_in_dim3A_66, %broadcast_in_dim3A_67 : vector<400x400xi1>, vector<400x400xi32>
    %eq3A_69 = vector.broadcast %get3A_16 : vector<1x400xf32> to vector<400x400xf32>
    %eq3A_70 = vector.broadcast %get3A_21 : vector<400x1xf32> to vector<400x400xf32>
    %eq3A_71 = arith.cmpf oeq, %eq3A_69, %eq3A_70 : vector<400x400xf32>
    %lt3A = arith.cmpi slt, %iota3A_28, %iota3A_27 : vector<400x400xi32>
    %and3A = arith.andi %eq3A_71, %lt3A : vector<400x400xi1>
    %jit3A_72 = arith.constant 1 : i32
    %jit3A_73 = arith.constant 0 : i32
    %broadcast_in_dim3A_74 = vector.broadcast %jit3A_72 : i32 to vector<400x400xi32>
    %broadcast_in_dim3A_75 = vector.broadcast %jit3A_73 : i32 to vector<400x400xi32>
    %select_n3A_76 = arith.select %and3A, %broadcast_in_dim3A_74, %broadcast_in_dim3A_75 : vector<400x400xi1>, vector<400x400xi32>
    %add3A = arith.addi %select_n3A_68, %select_n3A_76 : vector<400x400xi32>
    %reduce_sum3A_77 = arith.constant dense<0> : vector<400xi32>
    %reduce_sum3A_78 = vector.multi_reduction <add>, %add3A, %reduce_sum3A_77 [1] : vector<400x400xi32> to vector<400xi32>
    %broadcast_in_dim3A_79 = vector.shape_cast %reduce_sum3A_78 : vector<400xi32> to vector<400x1xi32>
    %eq3A_80 = vector.broadcast %broadcast_in_dim3A_79 : vector<400x1xi32> to vector<400x400xi32>
    %eq3A_81 = arith.cmpi eq, %eq3A_80, %iota3A_28 : vector<400x400xi32>
    %jit3A_82 = arith.constant 0.000000e+00 : f32
    %broadcast_in_dim3A_83 = vector.shape_cast %get3A_21 : vector<400x1xf32> to vector<400x1xf32>
    %broadcast_in_dim3A_84 = vector.broadcast %broadcast_in_dim3A_83 : vector<400x1xf32> to vector<400x400xf32>
    %broadcast_in_dim3A_85 = vector.broadcast %jit3A_82 : f32 to vector<400x400xf32>
    %select_n3A_86 = arith.select %eq3A_81, %broadcast_in_dim3A_84, %broadcast_in_dim3A_85 : vector<400x400xi1>, vector<400x400xf32>
    %reduce_sum3A_87 = arith.constant dense<0.000000e+00> : vector<400xf32>
    %reduce_sum3A_88 = vector.multi_reduction <add>, %select_n3A_86, %reduce_sum3A_87 [0] : vector<400x400xf32> to vector<400xf32>
    %broadcast_in_dim3A_89 = vector.shape_cast %reduce_sum3A_88 : vector<400xf32> to vector<1x400xf32>
    %add3A_90 = arith.addf %broadcast_in_dim3A_89, %broadcast_in_dim3A_61 : vector<1x400xf32>
    %mul3A = arith.constant 5.000000e-01 : f32
    %mul3A_91 = vector.broadcast %mul3A : f32 to vector<1x400xf32>
    %mul3A_92 = arith.mulf %add3A_90, %mul3A_91 : vector<1x400xf32>
    %eq3A_93 = arith.cmpi eq, %iota3A_27, %iota3A_28 : vector<400x400xi32>
    %jit3A_94 = arith.constant 0.000000e+00 : f32
    %broadcast_in_dim3A_95 = vector.shape_cast %mul3A_92 : vector<1x400xf32> to vector<1x400xf32>
    %broadcast_in_dim3A_96 = vector.broadcast %broadcast_in_dim3A_95 : vector<1x400xf32> to vector<400x400xf32>
    %broadcast_in_dim3A_97 = vector.broadcast %jit3A_94 : f32 to vector<400x400xf32>
    %select_n3A_98 = arith.select %eq3A_93, %broadcast_in_dim3A_96, %broadcast_in_dim3A_97 : vector<400x400xi1>, vector<400x400xf32>
    %reduce_sum3A_99 = arith.constant dense<0.000000e+00> : vector<400xf32>
    %reduce_sum3A_100 = vector.multi_reduction <add>, %select_n3A_98, %reduce_sum3A_99 [1] : vector<400x400xf32> to vector<400xf32>
    %broadcast_in_dim3A_101 = vector.shape_cast %reduce_sum3A_100 : vector<400xf32> to vector<400x1xf32>
    %gt3A_102 = vector.broadcast %broadcast_in_dim3A_101 : vector<400x1xf32> to vector<400x400xf32>
    %gt3A_103 = vector.broadcast %mul3A_92 : vector<1x400xf32> to vector<400x400xf32>
    %gt3A_104 = arith.cmpf ogt, %gt3A_102, %gt3A_103 : vector<400x400xf32>
    %jit3A_105 = arith.constant 1 : i32
    %jit3A_106 = arith.constant 0 : i32
    %broadcast_in_dim3A_107 = vector.broadcast %jit3A_105 : i32 to vector<400x400xi32>
    %broadcast_in_dim3A_108 = vector.broadcast %jit3A_106 : i32 to vector<400x400xi32>
    %select_n3A_109 = arith.select %gt3A_104, %broadcast_in_dim3A_107, %broadcast_in_dim3A_108 : vector<400x400xi1>, vector<400x400xi32>
    %eq3A_110 = vector.broadcast %broadcast_in_dim3A_101 : vector<400x1xf32> to vector<400x400xf32>
    %eq3A_111 = vector.broadcast %mul3A_92 : vector<1x400xf32> to vector<400x400xf32>
    %eq3A_112 = arith.cmpf oeq, %eq3A_110, %eq3A_111 : vector<400x400xf32>
    %lt3A_113 = arith.cmpi slt, %iota3A_27, %iota3A_28 : vector<400x400xi32>
    %and3A_114 = arith.andi %eq3A_112, %lt3A_113 : vector<400x400xi1>
    %jit3A_115 = arith.constant 1 : i32
    %jit3A_116 = arith.constant 0 : i32
    %broadcast_in_dim3A_117 = vector.broadcast %jit3A_115 : i32 to vector<400x400xi32>
    %broadcast_in_dim3A_118 = vector.broadcast %jit3A_116 : i32 to vector<400x400xi32>
    %select_n3A_119 = arith.select %and3A_114, %broadcast_in_dim3A_117, %broadcast_in_dim3A_118 : vector<400x400xi1>, vector<400x400xi32>
    %add3A_120 = arith.addi %select_n3A_109, %select_n3A_119 : vector<400x400xi32>
    %reduce_sum3A_121 = arith.constant dense<0> : vector<400xi32>
    %reduce_sum3A_122 = vector.multi_reduction <add>, %add3A_120, %reduce_sum3A_121 [0] : vector<400x400xi32> to vector<400xi32>
    %broadcast_in_dim3A_123 = vector.shape_cast %reduce_sum3A_122 : vector<400xi32> to vector<1x400xi32>
    %eq3A_124 = vector.broadcast %broadcast_in_dim3A_123 : vector<1x400xi32> to vector<400x400xi32>
    %eq3A_125 = arith.cmpi eq, %eq3A_124, %iota3A_27 : vector<400x400xi32>
    %jit3A_126 = arith.constant 0 : i32
    %broadcast_in_dim3A_127 = vector.shape_cast %get3A_11 : vector<1x400xi32> to vector<1x400xi32>
    %broadcast_in_dim3A_128 = vector.broadcast %broadcast_in_dim3A_127 : vector<1x400xi32> to vector<400x400xi32>
    %broadcast_in_dim3A_129 = vector.broadcast %jit3A_126 : i32 to vector<400x400xi32>
    %select_n3A_130 = arith.select %eq3A_125, %broadcast_in_dim3A_128, %broadcast_in_dim3A_129 : vector<400x400xi1>, vector<400x400xi32>
    %reduce_sum3A_131 = arith.constant dense<0> : vector<400xi32>
    %reduce_sum3A_132 = vector.multi_reduction <add>, %select_n3A_130, %reduce_sum3A_131 [1] : vector<400x400xi32> to vector<400xi32>
    %broadcast_in_dim3A_133 = vector.shape_cast %reduce_sum3A_132 : vector<400xi32> to vector<400x1xi32>
    %mul3A_134 = arith.constant 4 : i32
    %mul3A_135 = arith.muli %mul3A_134, %arg0 : i32
    %add3A_136 = arith.constant 0 : i32
    %add3A_137 = arith.addi %mul3A_135, %add3A_136 : i32
    %eq3A_138 = vector.broadcast %add3A_137 : i32 to vector<400x128xi32>
    %eq3A_139 = arith.cmpi eq, %iota3A, %eq3A_138 : vector<400x128xi32>
    %jit3A_140 = arith.constant 0 : i32
    %broadcast_in_dim3A_141 = vector.shape_cast %broadcast_in_dim3A_133 : vector<400x1xi32> to vector<400x1xi32>
    %broadcast_in_dim3A_142 = vector.broadcast %broadcast_in_dim3A_141 : vector<400x1xi32> to vector<400x128xi32>
    %broadcast_in_dim3A_143 = vector.broadcast %jit3A_140 : i32 to vector<400x128xi32>
    %select_n3A_144 = arith.select %eq3A_139, %broadcast_in_dim3A_142, %broadcast_in_dim3A_143 : vector<400x128xi1>, vector<400x128xi32>
    %add3A_145 = arith.addi %broadcast_in_dim3A_2, %select_n3A_144 : vector<400x128xi32>
    %get3A_146 = arith.constant 1 : index
    %get3A_147 = arith.constant 0 : index
    %get3A_148 = arith.constant 0 : index
    %get3A_149 = vector.load %arg1[%get3A_146, %get3A_147, %get3A_148] : memref<4x1x400xi32, #tpu.memory_space<vmem>>, vector<1x1x400xi32>
    %get3A_150 = vector.shape_cast %get3A_149 : vector<1x1x400xi32> to vector<1x400xi32>
    %get3A_151 = arith.constant 1 : index
    %get3A_152 = arith.constant 0 : index
    %get3A_153 = arith.constant 0 : index
    %get3A_154 = vector.load %arg2[%get3A_151, %get3A_152, %get3A_153] : memref<4x1x400xi32, #tpu.memory_space<vmem>>, vector<1x1x400xi32>
    %get3A_155 = vector.shape_cast %get3A_154 : vector<1x1x400xi32> to vector<1x400xi32>
    %get3A_156 = arith.constant 1 : index
    %get3A_157 = arith.constant 0 : index
    %get3A_158 = arith.constant 0 : index
    %get3A_159 = vector.load %arg3[%get3A_156, %get3A_157, %get3A_158] : memref<4x1x400xf32, #tpu.memory_space<vmem>>, vector<1x1x400xf32>
    %get3A_160 = vector.shape_cast %get3A_159 : vector<1x1x400xf32> to vector<1x400xf32>
    %get3A_161 = arith.constant 1 : index
    %get3A_162 = arith.constant 0 : index
    %get3A_163 = arith.constant 0 : index
    %get3A_164 = vector.load %arg4[%get3A_161, %get3A_162, %get3A_163] : memref<4x400x1xf32, #tpu.memory_space<vmem>>, vector<1x400x1xf32>
    %get3A_165 = vector.shape_cast %get3A_164 : vector<1x400x1xf32> to vector<400x1xf32>
    %get3A_166 = arith.constant 1 : index
    %get3A_167 = arith.constant 0 : index
    %get3A_168 = arith.constant 0 : index
    %get3A_169 = vector.load %arg5[%get3A_166, %get3A_167, %get3A_168] : memref<4x400x1024xf32, #tpu.memory_space<vmem>>, vector<1x400x1024xf32>
    %get3A_170 = vector.shape_cast %get3A_169 : vector<1x400x1024xf32> to vector<400x1024xf32>
    %iota3A_171 = tpu.iota {dimensions = array<i32: 0>} : vector<400x400xi32>
    %iota3A_172 = tpu.iota {dimensions = array<i32: 1>} : vector<400x400xi32>
    %iota3A_173 = tpu.iota {dimensions = array<i32: 0>} : vector<400x10xi32>
    %slice3A_174 = vector.extract_strided_slice %get3A_150 {offsets = [0, 0], sizes = [1, 10], strides = [1, 1]} : vector<1x400xi32> to vector<1x10xi32>
    %eq3A_175 = vector.broadcast %slice3A_174 : vector<1x10xi32> to vector<400x10xi32>
    %eq3A_176 = arith.cmpi eq, %iota3A_173, %eq3A_175 : vector<400x10xi32>
    %reduce_or3A_177 = arith.constant 1.000000e+00 : f32
    %reduce_or3A_178 = arith.constant 0.000000e+00 : f32
    %reduce_or3A_179 = vector.broadcast %reduce_or3A_177 : f32 to vector<400x10xf32>
    %reduce_or3A_180 = vector.broadcast %reduce_or3A_178 : f32 to vector<400x10xf32>
    %reduce_or3A_181 = arith.select %eq3A_176, %reduce_or3A_179, %reduce_or3A_180 : vector<400x10xi1>, vector<400x10xf32>
    %reduce_or3A_182 = arith.constant dense<0xFF800000> : vector<400xf32>
    %reduce_or3A_183 = vector.multi_reduction <maximumf>, %reduce_or3A_181, %reduce_or3A_182 [1] : vector<400x10xf32> to vector<400xf32>
    %reduce_or3A_184 = arith.constant 0.000000e+00 : f32
    %reduce_or3A_185 = vector.broadcast %reduce_or3A_184 : f32 to vector<400xf32>
    %reduce_or3A_186 = arith.cmpf ogt, %reduce_or3A_183, %reduce_or3A_185 : vector<400xf32>
    %broadcast_in_dim3A_187 = vector.shape_cast %reduce_or3A_186 : vector<400xi1> to vector<400x1xi1>
    %jit3A_188 = arith.constant 0xFF800000 : f32
    %broadcast_in_dim3A_189 = vector.shape_cast %broadcast_in_dim3A_187 : vector<400x1xi1> to vector<400x1xi1>
    %broadcast_in_dim3A_190 = vector.broadcast %broadcast_in_dim3A_189 : vector<400x1xi1> to vector<400x1024xi1>
    %broadcast_in_dim3A_191 = vector.broadcast %jit3A_188 : f32 to vector<400x1024xf32>
    %select_n3A_192 = arith.select %broadcast_in_dim3A_190, %get3A_170, %broadcast_in_dim3A_191 : vector<400x1024xi1>, vector<400x1024xf32>
    %reduce_max3A_193 = arith.constant dense<0xFF800000> : vector<1024xf32>
    %reduce_max3A_194 = vector.multi_reduction <maximumf>, %select_n3A_192, %reduce_max3A_193 [0] : vector<400x1024xf32> to vector<1024xf32>
    %broadcast_in_dim3A_195 = vector.shape_cast %reduce_max3A_194 : vector<1024xf32> to vector<1x1024xf32>
    %convert_element_type3A_196 = arith.truncf %broadcast_in_dim3A_195 : vector<1x1024xf32> to vector<1x1024xbf16>
    %broadcast_in_dim3A_197 = vector.shape_cast %convert_element_type3A_196 : vector<1x1024xbf16> to vector<1x1024xbf16>
    %broadcast_in_dim3A_198 = vector.broadcast %broadcast_in_dim3A_197 : vector<1x1024xbf16> to vector<8x1024xbf16>
    %convert_element_type3A_199 = arith.truncf %get3A_170 : vector<400x1024xf32> to vector<400x1024xbf16>
    %dot_general3A_200 = arith.constant dense<0.000000e+00> : vector<400x8xf32>
    %dot_general3A_201 = tpu.matmul %convert_element_type3A_199, %broadcast_in_dim3A_198, %dot_general3A_200 {dimension_numbers = #tpu.dot_dimension_numbers<[1], [1], [0], [0], [0, 0, 1, 0], [], []>, transpose_lhs_hint = false} : vector<400x1024xbf16>, vector<8x1024xbf16>, vector<400x8xf32> -> vector<400x8xf32>
    %slice3A_202 = vector.extract_strided_slice %dot_general3A_201 {offsets = [0, 0], sizes = [400, 1], strides = [1, 1]} : vector<400x8xf32> to vector<400x1xf32>
    %eq3A_203 = vector.broadcast %get3A_150 : vector<1x400xi32> to vector<400x400xi32>
    %eq3A_204 = arith.cmpi eq, %iota3A_171, %eq3A_203 : vector<400x400xi32>
    %jit3A_205 = arith.constant 0.000000e+00 : f32
    %broadcast_in_dim3A_206 = vector.shape_cast %slice3A_202 : vector<400x1xf32> to vector<400x1xf32>
    %broadcast_in_dim3A_207 = vector.broadcast %broadcast_in_dim3A_206 : vector<400x1xf32> to vector<400x400xf32>
    %broadcast_in_dim3A_208 = vector.broadcast %jit3A_205 : f32 to vector<400x400xf32>
    %select_n3A_209 = arith.select %eq3A_204, %broadcast_in_dim3A_207, %broadcast_in_dim3A_208 : vector<400x400xi1>, vector<400x400xf32>
    %reduce_sum3A_210 = arith.constant dense<0.000000e+00> : vector<400xf32>
    %reduce_sum3A_211 = vector.multi_reduction <add>, %select_n3A_209, %reduce_sum3A_210 [0] : vector<400x400xf32> to vector<400xf32>
    %broadcast_in_dim3A_212 = vector.shape_cast %reduce_sum3A_211 : vector<400xf32> to vector<1x400xf32>
    %gt3A_213 = vector.broadcast %get3A_160 : vector<1x400xf32> to vector<400x400xf32>
    %gt3A_214 = vector.broadcast %get3A_165 : vector<400x1xf32> to vector<400x400xf32>
    %gt3A_215 = arith.cmpf ogt, %gt3A_213, %gt3A_214 : vector<400x400xf32>
    %jit3A_216 = arith.constant 1 : i32
    %jit3A_217 = arith.constant 0 : i32
    %broadcast_in_dim3A_218 = vector.broadcast %jit3A_216 : i32 to vector<400x400xi32>
    %broadcast_in_dim3A_219 = vector.broadcast %jit3A_217 : i32 to vector<400x400xi32>
    %select_n3A_220 = arith.select %gt3A_215, %broadcast_in_dim3A_218, %broadcast_in_dim3A_219 : vector<400x400xi1>, vector<400x400xi32>
    %eq3A_221 = vector.broadcast %get3A_160 : vector<1x400xf32> to vector<400x400xf32>
    %eq3A_222 = vector.broadcast %get3A_165 : vector<400x1xf32> to vector<400x400xf32>
    %eq3A_223 = arith.cmpf oeq, %eq3A_221, %eq3A_222 : vector<400x400xf32>
    %lt3A_224 = arith.cmpi slt, %iota3A_172, %iota3A_171 : vector<400x400xi32>
    %and3A_225 = arith.andi %eq3A_223, %lt3A_224 : vector<400x400xi1>
    %jit3A_226 = arith.constant 1 : i32
    %jit3A_227 = arith.constant 0 : i32
    %broadcast_in_dim3A_228 = vector.broadcast %jit3A_226 : i32 to vector<400x400xi32>
    %broadcast_in_dim3A_229 = vector.broadcast %jit3A_227 : i32 to vector<400x400xi32>
    %select_n3A_230 = arith.select %and3A_225, %broadcast_in_dim3A_228, %broadcast_in_dim3A_229 : vector<400x400xi1>, vector<400x400xi32>
    %add3A_231 = arith.addi %select_n3A_220, %select_n3A_230 : vector<400x400xi32>
    %reduce_sum3A_232 = arith.constant dense<0> : vector<400xi32>
    %reduce_sum3A_233 = vector.multi_reduction <add>, %add3A_231, %reduce_sum3A_232 [1] : vector<400x400xi32> to vector<400xi32>
    %broadcast_in_dim3A_234 = vector.shape_cast %reduce_sum3A_233 : vector<400xi32> to vector<400x1xi32>
    %eq3A_235 = vector.broadcast %broadcast_in_dim3A_234 : vector<400x1xi32> to vector<400x400xi32>
    %eq3A_236 = arith.cmpi eq, %eq3A_235, %iota3A_172 : vector<400x400xi32>
    %jit3A_237 = arith.constant 0.000000e+00 : f32
    %broadcast_in_dim3A_238 = vector.shape_cast %get3A_165 : vector<400x1xf32> to vector<400x1xf32>
    %broadcast_in_dim3A_239 = vector.broadcast %broadcast_in_dim3A_238 : vector<400x1xf32> to vector<400x400xf32>
    %broadcast_in_dim3A_240 = vector.broadcast %jit3A_237 : f32 to vector<400x400xf32>
    %select_n3A_241 = arith.select %eq3A_236, %broadcast_in_dim3A_239, %broadcast_in_dim3A_240 : vector<400x400xi1>, vector<400x400xf32>
    %reduce_sum3A_242 = arith.constant dense<0.000000e+00> : vector<400xf32>
    %reduce_sum3A_243 = vector.multi_reduction <add>, %select_n3A_241, %reduce_sum3A_242 [0] : vector<400x400xf32> to vector<400xf32>
    %broadcast_in_dim3A_244 = vector.shape_cast %reduce_sum3A_243 : vector<400xf32> to vector<1x400xf32>
    %add3A_245 = arith.addf %broadcast_in_dim3A_244, %broadcast_in_dim3A_212 : vector<1x400xf32>
    %mul3A_246 = arith.constant 5.000000e-01 : f32
    %mul3A_247 = vector.broadcast %mul3A_246 : f32 to vector<1x400xf32>
    %mul3A_248 = arith.mulf %add3A_245, %mul3A_247 : vector<1x400xf32>
    %eq3A_249 = arith.cmpi eq, %iota3A_171, %iota3A_172 : vector<400x400xi32>
    %jit3A_250 = arith.constant 0.000000e+00 : f32
    %broadcast_in_dim3A_251 = vector.shape_cast %mul3A_248 : vector<1x400xf32> to vector<1x400xf32>
    %broadcast_in_dim3A_252 = vector.broadcast %broadcast_in_dim3A_251 : vector<1x400xf32> to vector<400x400xf32>
    %broadcast_in_dim3A_253 = vector.broadcast %jit3A_250 : f32 to vector<400x400xf32>
    %select_n3A_254 = arith.select %eq3A_249, %broadcast_in_dim3A_252, %broadcast_in_dim3A_253 : vector<400x400xi1>, vector<400x400xf32>
    %reduce_sum3A_255 = arith.constant dense<0.000000e+00> : vector<400xf32>
    %reduce_sum3A_256 = vector.multi_reduction <add>, %select_n3A_254, %reduce_sum3A_255 [1] : vector<400x400xf32> to vector<400xf32>
    %broadcast_in_dim3A_257 = vector.shape_cast %reduce_sum3A_256 : vector<400xf32> to vector<400x1xf32>
    %gt3A_258 = vector.broadcast %broadcast_in_dim3A_257 : vector<400x1xf32> to vector<400x400xf32>
    %gt3A_259 = vector.broadcast %mul3A_248 : vector<1x400xf32> to vector<400x400xf32>
    %gt3A_260 = arith.cmpf ogt, %gt3A_258, %gt3A_259 : vector<400x400xf32>
    %jit3A_261 = arith.constant 1 : i32
    %jit3A_262 = arith.constant 0 : i32
    %broadcast_in_dim3A_263 = vector.broadcast %jit3A_261 : i32 to vector<400x400xi32>
    %broadcast_in_dim3A_264 = vector.broadcast %jit3A_262 : i32 to vector<400x400xi32>
    %select_n3A_265 = arith.select %gt3A_260, %broadcast_in_dim3A_263, %broadcast_in_dim3A_264 : vector<400x400xi1>, vector<400x400xi32>
    %eq3A_266 = vector.broadcast %broadcast_in_dim3A_257 : vector<400x1xf32> to vector<400x400xf32>
    %eq3A_267 = vector.broadcast %mul3A_248 : vector<1x400xf32> to vector<400x400xf32>
    %eq3A_268 = arith.cmpf oeq, %eq3A_266, %eq3A_267 : vector<400x400xf32>
    %lt3A_269 = arith.cmpi slt, %iota3A_171, %iota3A_172 : vector<400x400xi32>
    %and3A_270 = arith.andi %eq3A_268, %lt3A_269 : vector<400x400xi1>
    %jit3A_271 = arith.constant 1 : i32
    %jit3A_272 = arith.constant 0 : i32
    %broadcast_in_dim3A_273 = vector.broadcast %jit3A_271 : i32 to vector<400x400xi32>
    %broadcast_in_dim3A_274 = vector.broadcast %jit3A_272 : i32 to vector<400x400xi32>
    %select_n3A_275 = arith.select %and3A_270, %broadcast_in_dim3A_273, %broadcast_in_dim3A_274 : vector<400x400xi1>, vector<400x400xi32>
    %add3A_276 = arith.addi %select_n3A_265, %select_n3A_275 : vector<400x400xi32>
    %reduce_sum3A_277 = arith.constant dense<0> : vector<400xi32>
    %reduce_sum3A_278 = vector.multi_reduction <add>, %add3A_276, %reduce_sum3A_277 [0] : vector<400x400xi32> to vector<400xi32>
    %broadcast_in_dim3A_279 = vector.shape_cast %reduce_sum3A_278 : vector<400xi32> to vector<1x400xi32>
    %eq3A_280 = vector.broadcast %broadcast_in_dim3A_279 : vector<1x400xi32> to vector<400x400xi32>
    %eq3A_281 = arith.cmpi eq, %eq3A_280, %iota3A_171 : vector<400x400xi32>
    %jit3A_282 = arith.constant 0 : i32
    %broadcast_in_dim3A_283 = vector.shape_cast %get3A_155 : vector<1x400xi32> to vector<1x400xi32>
    %broadcast_in_dim3A_284 = vector.broadcast %broadcast_in_dim3A_283 : vector<1x400xi32> to vector<400x400xi32>
    %broadcast_in_dim3A_285 = vector.broadcast %jit3A_282 : i32 to vector<400x400xi32>
    %select_n3A_286 = arith.select %eq3A_281, %broadcast_in_dim3A_284, %broadcast_in_dim3A_285 : vector<400x400xi1>, vector<400x400xi32>
    %reduce_sum3A_287 = arith.constant dense<0> : vector<400xi32>
    %reduce_sum3A_288 = vector.multi_reduction <add>, %select_n3A_286, %reduce_sum3A_287 [1] : vector<400x400xi32> to vector<400xi32>
    %broadcast_in_dim3A_289 = vector.shape_cast %reduce_sum3A_288 : vector<400xi32> to vector<400x1xi32>
    %mul3A_290 = arith.constant 4 : i32
    %mul3A_291 = arith.muli %mul3A_290, %arg0 : i32
    %add3A_292 = arith.constant 1 : i32
    %add3A_293 = arith.addi %mul3A_291, %add3A_292 : i32
    %eq3A_294 = vector.broadcast %add3A_293 : i32 to vector<400x128xi32>
    %eq3A_295 = arith.cmpi eq, %iota3A, %eq3A_294 : vector<400x128xi32>
    %jit3A_296 = arith.constant 0 : i32
    %broadcast_in_dim3A_297 = vector.shape_cast %broadcast_in_dim3A_289 : vector<400x1xi32> to vector<400x1xi32>
    %broadcast_in_dim3A_298 = vector.broadcast %broadcast_in_dim3A_297 : vector<400x1xi32> to vector<400x128xi32>
    %broadcast_in_dim3A_299 = vector.broadcast %jit3A_296 : i32 to vector<400x128xi32>
    %select_n3A_300 = arith.select %eq3A_295, %broadcast_in_dim3A_298, %broadcast_in_dim3A_299 : vector<400x128xi1>, vector<400x128xi32>
    %add3A_301 = arith.addi %add3A_145, %select_n3A_300 : vector<400x128xi32>
    %get3A_302 = arith.constant 2 : index
    %get3A_303 = arith.constant 0 : index
    %get3A_304 = arith.constant 0 : index
    %get3A_305 = vector.load %arg1[%get3A_302, %get3A_303, %get3A_304] : memref<4x1x400xi32, #tpu.memory_space<vmem>>, vector<1x1x400xi32>
    %get3A_306 = vector.shape_cast %get3A_305 : vector<1x1x400xi32> to vector<1x400xi32>
    %get3A_307 = arith.constant 2 : index
    %get3A_308 = arith.constant 0 : index
    %get3A_309 = arith.constant 0 : index
    %get3A_310 = vector.load %arg2[%get3A_307, %get3A_308, %get3A_309] : memref<4x1x400xi32, #tpu.memory_space<vmem>>, vector<1x1x400xi32>
    %get3A_311 = vector.shape_cast %get3A_310 : vector<1x1x400xi32> to vector<1x400xi32>
    %get3A_312 = arith.constant 2 : index
    %get3A_313 = arith.constant 0 : index
    %get3A_314 = arith.constant 0 : index
    %get3A_315 = vector.load %arg3[%get3A_312, %get3A_313, %get3A_314] : memref<4x1x400xf32, #tpu.memory_space<vmem>>, vector<1x1x400xf32>
    %get3A_316 = vector.shape_cast %get3A_315 : vector<1x1x400xf32> to vector<1x400xf32>
    %get3A_317 = arith.constant 2 : index
    %get3A_318 = arith.constant 0 : index
    %get3A_319 = arith.constant 0 : index
    %get3A_320 = vector.load %arg4[%get3A_317, %get3A_318, %get3A_319] : memref<4x400x1xf32, #tpu.memory_space<vmem>>, vector<1x400x1xf32>
    %get3A_321 = vector.shape_cast %get3A_320 : vector<1x400x1xf32> to vector<400x1xf32>
    %get3A_322 = arith.constant 2 : index
    %get3A_323 = arith.constant 0 : index
    %get3A_324 = arith.constant 0 : index
    %get3A_325 = vector.load %arg5[%get3A_322, %get3A_323, %get3A_324] : memref<4x400x1024xf32, #tpu.memory_space<vmem>>, vector<1x400x1024xf32>
    %get3A_326 = vector.shape_cast %get3A_325 : vector<1x400x1024xf32> to vector<400x1024xf32>
    %iota3A_327 = tpu.iota {dimensions = array<i32: 0>} : vector<400x400xi32>
    %iota3A_328 = tpu.iota {dimensions = array<i32: 1>} : vector<400x400xi32>
    %iota3A_329 = tpu.iota {dimensions = array<i32: 0>} : vector<400x10xi32>
    %slice3A_330 = vector.extract_strided_slice %get3A_306 {offsets = [0, 0], sizes = [1, 10], strides = [1, 1]} : vector<1x400xi32> to vector<1x10xi32>
    %eq3A_331 = vector.broadcast %slice3A_330 : vector<1x10xi32> to vector<400x10xi32>
    %eq3A_332 = arith.cmpi eq, %iota3A_329, %eq3A_331 : vector<400x10xi32>
    %reduce_or3A_333 = arith.constant 1.000000e+00 : f32
    %reduce_or3A_334 = arith.constant 0.000000e+00 : f32
    %reduce_or3A_335 = vector.broadcast %reduce_or3A_333 : f32 to vector<400x10xf32>
    %reduce_or3A_336 = vector.broadcast %reduce_or3A_334 : f32 to vector<400x10xf32>
    %reduce_or3A_337 = arith.select %eq3A_332, %reduce_or3A_335, %reduce_or3A_336 : vector<400x10xi1>, vector<400x10xf32>
    %reduce_or3A_338 = arith.constant dense<0xFF800000> : vector<400xf32>
    %reduce_or3A_339 = vector.multi_reduction <maximumf>, %reduce_or3A_337, %reduce_or3A_338 [1] : vector<400x10xf32> to vector<400xf32>
    %reduce_or3A_340 = arith.constant 0.000000e+00 : f32
    %reduce_or3A_341 = vector.broadcast %reduce_or3A_340 : f32 to vector<400xf32>
    %reduce_or3A_342 = arith.cmpf ogt, %reduce_or3A_339, %reduce_or3A_341 : vector<400xf32>
    %broadcast_in_dim3A_343 = vector.shape_cast %reduce_or3A_342 : vector<400xi1> to vector<400x1xi1>
    %jit3A_344 = arith.constant 0xFF800000 : f32
    %broadcast_in_dim3A_345 = vector.shape_cast %broadcast_in_dim3A_343 : vector<400x1xi1> to vector<400x1xi1>
    %broadcast_in_dim3A_346 = vector.broadcast %broadcast_in_dim3A_345 : vector<400x1xi1> to vector<400x1024xi1>
    %broadcast_in_dim3A_347 = vector.broadcast %jit3A_344 : f32 to vector<400x1024xf32>
    %select_n3A_348 = arith.select %broadcast_in_dim3A_346, %get3A_326, %broadcast_in_dim3A_347 : vector<400x1024xi1>, vector<400x1024xf32>
    %reduce_max3A_349 = arith.constant dense<0xFF800000> : vector<1024xf32>
    %reduce_max3A_350 = vector.multi_reduction <maximumf>, %select_n3A_348, %reduce_max3A_349 [0] : vector<400x1024xf32> to vector<1024xf32>
    %broadcast_in_dim3A_351 = vector.shape_cast %reduce_max3A_350 : vector<1024xf32> to vector<1x1024xf32>
    %convert_element_type3A_352 = arith.truncf %broadcast_in_dim3A_351 : vector<1x1024xf32> to vector<1x1024xbf16>
    %broadcast_in_dim3A_353 = vector.shape_cast %convert_element_type3A_352 : vector<1x1024xbf16> to vector<1x1024xbf16>
    %broadcast_in_dim3A_354 = vector.broadcast %broadcast_in_dim3A_353 : vector<1x1024xbf16> to vector<8x1024xbf16>
    %convert_element_type3A_355 = arith.truncf %get3A_326 : vector<400x1024xf32> to vector<400x1024xbf16>
    %dot_general3A_356 = arith.constant dense<0.000000e+00> : vector<400x8xf32>
    %dot_general3A_357 = tpu.matmul %convert_element_type3A_355, %broadcast_in_dim3A_354, %dot_general3A_356 {dimension_numbers = #tpu.dot_dimension_numbers<[1], [1], [0], [0], [0, 0, 1, 0], [], []>, transpose_lhs_hint = false} : vector<400x1024xbf16>, vector<8x1024xbf16>, vector<400x8xf32> -> vector<400x8xf32>
    %slice3A_358 = vector.extract_strided_slice %dot_general3A_357 {offsets = [0, 0], sizes = [400, 1], strides = [1, 1]} : vector<400x8xf32> to vector<400x1xf32>
    %eq3A_359 = vector.broadcast %get3A_306 : vector<1x400xi32> to vector<400x400xi32>
    %eq3A_360 = arith.cmpi eq, %iota3A_327, %eq3A_359 : vector<400x400xi32>
    %jit3A_361 = arith.constant 0.000000e+00 : f32
    %broadcast_in_dim3A_362 = vector.shape_cast %slice3A_358 : vector<400x1xf32> to vector<400x1xf32>
    %broadcast_in_dim3A_363 = vector.broadcast %broadcast_in_dim3A_362 : vector<400x1xf32> to vector<400x400xf32>
    %broadcast_in_dim3A_364 = vector.broadcast %jit3A_361 : f32 to vector<400x400xf32>
    %select_n3A_365 = arith.select %eq3A_360, %broadcast_in_dim3A_363, %broadcast_in_dim3A_364 : vector<400x400xi1>, vector<400x400xf32>
    %reduce_sum3A_366 = arith.constant dense<0.000000e+00> : vector<400xf32>
    %reduce_sum3A_367 = vector.multi_reduction <add>, %select_n3A_365, %reduce_sum3A_366 [0] : vector<400x400xf32> to vector<400xf32>
    %broadcast_in_dim3A_368 = vector.shape_cast %reduce_sum3A_367 : vector<400xf32> to vector<1x400xf32>
    %gt3A_369 = vector.broadcast %get3A_316 : vector<1x400xf32> to vector<400x400xf32>
    %gt3A_370 = vector.broadcast %get3A_321 : vector<400x1xf32> to vector<400x400xf32>
    %gt3A_371 = arith.cmpf ogt, %gt3A_369, %gt3A_370 : vector<400x400xf32>
    %jit3A_372 = arith.constant 1 : i32
    %jit3A_373 = arith.constant 0 : i32
    %broadcast_in_dim3A_374 = vector.broadcast %jit3A_372 : i32 to vector<400x400xi32>
    %broadcast_in_dim3A_375 = vector.broadcast %jit3A_373 : i32 to vector<400x400xi32>
    %select_n3A_376 = arith.select %gt3A_371, %broadcast_in_dim3A_374, %broadcast_in_dim3A_375 : vector<400x400xi1>, vector<400x400xi32>
    %eq3A_377 = vector.broadcast %get3A_316 : vector<1x400xf32> to vector<400x400xf32>
    %eq3A_378 = vector.broadcast %get3A_321 : vector<400x1xf32> to vector<400x400xf32>
    %eq3A_379 = arith.cmpf oeq, %eq3A_377, %eq3A_378 : vector<400x400xf32>
    %lt3A_380 = arith.cmpi slt, %iota3A_328, %iota3A_327 : vector<400x400xi32>
    %and3A_381 = arith.andi %eq3A_379, %lt3A_380 : vector<400x400xi1>
    %jit3A_382 = arith.constant 1 : i32
    %jit3A_383 = arith.constant 0 : i32
    %broadcast_in_dim3A_384 = vector.broadcast %jit3A_382 : i32 to vector<400x400xi32>
    %broadcast_in_dim3A_385 = vector.broadcast %jit3A_383 : i32 to vector<400x400xi32>
    %select_n3A_386 = arith.select %and3A_381, %broadcast_in_dim3A_384, %broadcast_in_dim3A_385 : vector<400x400xi1>, vector<400x400xi32>
    %add3A_387 = arith.addi %select_n3A_376, %select_n3A_386 : vector<400x400xi32>
    %reduce_sum3A_388 = arith.constant dense<0> : vector<400xi32>
    %reduce_sum3A_389 = vector.multi_reduction <add>, %add3A_387, %reduce_sum3A_388 [1] : vector<400x400xi32> to vector<400xi32>
    %broadcast_in_dim3A_390 = vector.shape_cast %reduce_sum3A_389 : vector<400xi32> to vector<400x1xi32>
    %eq3A_391 = vector.broadcast %broadcast_in_dim3A_390 : vector<400x1xi32> to vector<400x400xi32>
    %eq3A_392 = arith.cmpi eq, %eq3A_391, %iota3A_328 : vector<400x400xi32>
    %jit3A_393 = arith.constant 0.000000e+00 : f32
    %broadcast_in_dim3A_394 = vector.shape_cast %get3A_321 : vector<400x1xf32> to vector<400x1xf32>
    %broadcast_in_dim3A_395 = vector.broadcast %broadcast_in_dim3A_394 : vector<400x1xf32> to vector<400x400xf32>
    %broadcast_in_dim3A_396 = vector.broadcast %jit3A_393 : f32 to vector<400x400xf32>
    %select_n3A_397 = arith.select %eq3A_392, %broadcast_in_dim3A_395, %broadcast_in_dim3A_396 : vector<400x400xi1>, vector<400x400xf32>
    %reduce_sum3A_398 = arith.constant dense<0.000000e+00> : vector<400xf32>
    %reduce_sum3A_399 = vector.multi_reduction <add>, %select_n3A_397, %reduce_sum3A_398 [0] : vector<400x400xf32> to vector<400xf32>
    %broadcast_in_dim3A_400 = vector.shape_cast %reduce_sum3A_399 : vector<400xf32> to vector<1x400xf32>
    %add3A_401 = arith.addf %broadcast_in_dim3A_400, %broadcast_in_dim3A_368 : vector<1x400xf32>
    %mul3A_402 = arith.constant 5.000000e-01 : f32
    %mul3A_403 = vector.broadcast %mul3A_402 : f32 to vector<1x400xf32>
    %mul3A_404 = arith.mulf %add3A_401, %mul3A_403 : vector<1x400xf32>
    %eq3A_405 = arith.cmpi eq, %iota3A_327, %iota3A_328 : vector<400x400xi32>
    %jit3A_406 = arith.constant 0.000000e+00 : f32
    %broadcast_in_dim3A_407 = vector.shape_cast %mul3A_404 : vector<1x400xf32> to vector<1x400xf32>
    %broadcast_in_dim3A_408 = vector.broadcast %broadcast_in_dim3A_407 : vector<1x400xf32> to vector<400x400xf32>
    %broadcast_in_dim3A_409 = vector.broadcast %jit3A_406 : f32 to vector<400x400xf32>
    %select_n3A_410 = arith.select %eq3A_405, %broadcast_in_dim3A_408, %broadcast_in_dim3A_409 : vector<400x400xi1>, vector<400x400xf32>
    %reduce_sum3A_411 = arith.constant dense<0.000000e+00> : vector<400xf32>
    %reduce_sum3A_412 = vector.multi_reduction <add>, %select_n3A_410, %reduce_sum3A_411 [1] : vector<400x400xf32> to vector<400xf32>
    %broadcast_in_dim3A_413 = vector.shape_cast %reduce_sum3A_412 : vector<400xf32> to vector<400x1xf32>
    %gt3A_414 = vector.broadcast %broadcast_in_dim3A_413 : vector<400x1xf32> to vector<400x400xf32>
    %gt3A_415 = vector.broadcast %mul3A_404 : vector<1x400xf32> to vector<400x400xf32>
    %gt3A_416 = arith.cmpf ogt, %gt3A_414, %gt3A_415 : vector<400x400xf32>
    %jit3A_417 = arith.constant 1 : i32
    %jit3A_418 = arith.constant 0 : i32
    %broadcast_in_dim3A_419 = vector.broadcast %jit3A_417 : i32 to vector<400x400xi32>
    %broadcast_in_dim3A_420 = vector.broadcast %jit3A_418 : i32 to vector<400x400xi32>
    %select_n3A_421 = arith.select %gt3A_416, %broadcast_in_dim3A_419, %broadcast_in_dim3A_420 : vector<400x400xi1>, vector<400x400xi32>
    %eq3A_422 = vector.broadcast %broadcast_in_dim3A_413 : vector<400x1xf32> to vector<400x400xf32>
    %eq3A_423 = vector.broadcast %mul3A_404 : vector<1x400xf32> to vector<400x400xf32>
    %eq3A_424 = arith.cmpf oeq, %eq3A_422, %eq3A_423 : vector<400x400xf32>
    %lt3A_425 = arith.cmpi slt, %iota3A_327, %iota3A_328 : vector<400x400xi32>
    %and3A_426 = arith.andi %eq3A_424, %lt3A_425 : vector<400x400xi1>
    %jit3A_427 = arith.constant 1 : i32
    %jit3A_428 = arith.constant 0 : i32
    %broadcast_in_dim3A_429 = vector.broadcast %jit3A_427 : i32 to vector<400x400xi32>
    %broadcast_in_dim3A_430 = vector.broadcast %jit3A_428 : i32 to vector<400x400xi32>
    %select_n3A_431 = arith.select %and3A_426, %broadcast_in_dim3A_429, %broadcast_in_dim3A_430 : vector<400x400xi1>, vector<400x400xi32>
    %add3A_432 = arith.addi %select_n3A_421, %select_n3A_431 : vector<400x400xi32>
    %reduce_sum3A_433 = arith.constant dense<0> : vector<400xi32>
    %reduce_sum3A_434 = vector.multi_reduction <add>, %add3A_432, %reduce_sum3A_433 [0] : vector<400x400xi32> to vector<400xi32>
    %broadcast_in_dim3A_435 = vector.shape_cast %reduce_sum3A_434 : vector<400xi32> to vector<1x400xi32>
    %eq3A_436 = vector.broadcast %broadcast_in_dim3A_435 : vector<1x400xi32> to vector<400x400xi32>
    %eq3A_437 = arith.cmpi eq, %eq3A_436, %iota3A_327 : vector<400x400xi32>
    %jit3A_438 = arith.constant 0 : i32
    %broadcast_in_dim3A_439 = vector.shape_cast %get3A_311 : vector<1x400xi32> to vector<1x400xi32>
    %broadcast_in_dim3A_440 = vector.broadcast %broadcast_in_dim3A_439 : vector<1x400xi32> to vector<400x400xi32>
    %broadcast_in_dim3A_441 = vector.broadcast %jit3A_438 : i32 to vector<400x400xi32>
    %select_n3A_442 = arith.select %eq3A_437, %broadcast_in_dim3A_440, %broadcast_in_dim3A_441 : vector<400x400xi1>, vector<400x400xi32>
    %reduce_sum3A_443 = arith.constant dense<0> : vector<400xi32>
    %reduce_sum3A_444 = vector.multi_reduction <add>, %select_n3A_442, %reduce_sum3A_443 [1] : vector<400x400xi32> to vector<400xi32>
    %broadcast_in_dim3A_445 = vector.shape_cast %reduce_sum3A_444 : vector<400xi32> to vector<400x1xi32>
    %mul3A_446 = arith.constant 4 : i32
    %mul3A_447 = arith.muli %mul3A_446, %arg0 : i32
    %add3A_448 = arith.constant 2 : i32
    %add3A_449 = arith.addi %mul3A_447, %add3A_448 : i32
    %eq3A_450 = vector.broadcast %add3A_449 : i32 to vector<400x128xi32>
    %eq3A_451 = arith.cmpi eq, %iota3A, %eq3A_450 : vector<400x128xi32>
    %jit3A_452 = arith.constant 0 : i32
    %broadcast_in_dim3A_453 = vector.shape_cast %broadcast_in_dim3A_445 : vector<400x1xi32> to vector<400x1xi32>
    %broadcast_in_dim3A_454 = vector.broadcast %broadcast_in_dim3A_453 : vector<400x1xi32> to vector<400x128xi32>
    %broadcast_in_dim3A_455 = vector.broadcast %jit3A_452 : i32 to vector<400x128xi32>
    %select_n3A_456 = arith.select %eq3A_451, %broadcast_in_dim3A_454, %broadcast_in_dim3A_455 : vector<400x128xi1>, vector<400x128xi32>
    %add3A_457 = arith.addi %add3A_301, %select_n3A_456 : vector<400x128xi32>
    %get3A_458 = arith.constant 3 : index
    %get3A_459 = arith.constant 0 : index
    %get3A_460 = arith.constant 0 : index
    %get3A_461 = vector.load %arg1[%get3A_458, %get3A_459, %get3A_460] : memref<4x1x400xi32, #tpu.memory_space<vmem>>, vector<1x1x400xi32>
    %get3A_462 = vector.shape_cast %get3A_461 : vector<1x1x400xi32> to vector<1x400xi32>
    %get3A_463 = arith.constant 3 : index
    %get3A_464 = arith.constant 0 : index
    %get3A_465 = arith.constant 0 : index
    %get3A_466 = vector.load %arg2[%get3A_463, %get3A_464, %get3A_465] : memref<4x1x400xi32, #tpu.memory_space<vmem>>, vector<1x1x400xi32>
    %get3A_467 = vector.shape_cast %get3A_466 : vector<1x1x400xi32> to vector<1x400xi32>
    %get3A_468 = arith.constant 3 : index
    %get3A_469 = arith.constant 0 : index
    %get3A_470 = arith.constant 0 : index
    %get3A_471 = vector.load %arg3[%get3A_468, %get3A_469, %get3A_470] : memref<4x1x400xf32, #tpu.memory_space<vmem>>, vector<1x1x400xf32>
    %get3A_472 = vector.shape_cast %get3A_471 : vector<1x1x400xf32> to vector<1x400xf32>
    %get3A_473 = arith.constant 3 : index
    %get3A_474 = arith.constant 0 : index
    %get3A_475 = arith.constant 0 : index
    %get3A_476 = vector.load %arg4[%get3A_473, %get3A_474, %get3A_475] : memref<4x400x1xf32, #tpu.memory_space<vmem>>, vector<1x400x1xf32>
    %get3A_477 = vector.shape_cast %get3A_476 : vector<1x400x1xf32> to vector<400x1xf32>
    %get3A_478 = arith.constant 3 : index
    %get3A_479 = arith.constant 0 : index
    %get3A_480 = arith.constant 0 : index
    %get3A_481 = vector.load %arg5[%get3A_478, %get3A_479, %get3A_480] : memref<4x400x1024xf32, #tpu.memory_space<vmem>>, vector<1x400x1024xf32>
    %get3A_482 = vector.shape_cast %get3A_481 : vector<1x400x1024xf32> to vector<400x1024xf32>
    %iota3A_483 = tpu.iota {dimensions = array<i32: 0>} : vector<400x400xi32>
    %iota3A_484 = tpu.iota {dimensions = array<i32: 1>} : vector<400x400xi32>
    %iota3A_485 = tpu.iota {dimensions = array<i32: 0>} : vector<400x10xi32>
    %slice3A_486 = vector.extract_strided_slice %get3A_462 {offsets = [0, 0], sizes = [1, 10], strides = [1, 1]} : vector<1x400xi32> to vector<1x10xi32>
    %eq3A_487 = vector.broadcast %slice3A_486 : vector<1x10xi32> to vector<400x10xi32>
    %eq3A_488 = arith.cmpi eq, %iota3A_485, %eq3A_487 : vector<400x10xi32>
    %reduce_or3A_489 = arith.constant 1.000000e+00 : f32
    %reduce_or3A_490 = arith.constant 0.000000e+00 : f32
    %reduce_or3A_491 = vector.broadcast %reduce_or3A_489 : f32 to vector<400x10xf32>
    %reduce_or3A_492 = vector.broadcast %reduce_or3A_490 : f32 to vector<400x10xf32>
    %reduce_or3A_493 = arith.select %eq3A_488, %reduce_or3A_491, %reduce_or3A_492 : vector<400x10xi1>, vector<400x10xf32>
    %reduce_or3A_494 = arith.constant dense<0xFF800000> : vector<400xf32>
    %reduce_or3A_495 = vector.multi_reduction <maximumf>, %reduce_or3A_493, %reduce_or3A_494 [1] : vector<400x10xf32> to vector<400xf32>
    %reduce_or3A_496 = arith.constant 0.000000e+00 : f32
    %reduce_or3A_497 = vector.broadcast %reduce_or3A_496 : f32 to vector<400xf32>
    %reduce_or3A_498 = arith.cmpf ogt, %reduce_or3A_495, %reduce_or3A_497 : vector<400xf32>
    %broadcast_in_dim3A_499 = vector.shape_cast %reduce_or3A_498 : vector<400xi1> to vector<400x1xi1>
    %jit3A_500 = arith.constant 0xFF800000 : f32
    %broadcast_in_dim3A_501 = vector.shape_cast %broadcast_in_dim3A_499 : vector<400x1xi1> to vector<400x1xi1>
    %broadcast_in_dim3A_502 = vector.broadcast %broadcast_in_dim3A_501 : vector<400x1xi1> to vector<400x1024xi1>
    %broadcast_in_dim3A_503 = vector.broadcast %jit3A_500 : f32 to vector<400x1024xf32>
    %select_n3A_504 = arith.select %broadcast_in_dim3A_502, %get3A_482, %broadcast_in_dim3A_503 : vector<400x1024xi1>, vector<400x1024xf32>
    %reduce_max3A_505 = arith.constant dense<0xFF800000> : vector<1024xf32>
    %reduce_max3A_506 = vector.multi_reduction <maximumf>, %select_n3A_504, %reduce_max3A_505 [0] : vector<400x1024xf32> to vector<1024xf32>
    %broadcast_in_dim3A_507 = vector.shape_cast %reduce_max3A_506 : vector<1024xf32> to vector<1x1024xf32>
    %convert_element_type3A_508 = arith.truncf %broadcast_in_dim3A_507 : vector<1x1024xf32> to vector<1x1024xbf16>
    %broadcast_in_dim3A_509 = vector.shape_cast %convert_element_type3A_508 : vector<1x1024xbf16> to vector<1x1024xbf16>
    %broadcast_in_dim3A_510 = vector.broadcast %broadcast_in_dim3A_509 : vector<1x1024xbf16> to vector<8x1024xbf16>
    %convert_element_type3A_511 = arith.truncf %get3A_482 : vector<400x1024xf32> to vector<400x1024xbf16>
    %dot_general3A_512 = arith.constant dense<0.000000e+00> : vector<400x8xf32>
    %dot_general3A_513 = tpu.matmul %convert_element_type3A_511, %broadcast_in_dim3A_510, %dot_general3A_512 {dimension_numbers = #tpu.dot_dimension_numbers<[1], [1], [0], [0], [0, 0, 1, 0], [], []>, transpose_lhs_hint = false} : vector<400x1024xbf16>, vector<8x1024xbf16>, vector<400x8xf32> -> vector<400x8xf32>
    %slice3A_514 = vector.extract_strided_slice %dot_general3A_513 {offsets = [0, 0], sizes = [400, 1], strides = [1, 1]} : vector<400x8xf32> to vector<400x1xf32>
    %eq3A_515 = vector.broadcast %get3A_462 : vector<1x400xi32> to vector<400x400xi32>
    %eq3A_516 = arith.cmpi eq, %iota3A_483, %eq3A_515 : vector<400x400xi32>
    %jit3A_517 = arith.constant 0.000000e+00 : f32
    %broadcast_in_dim3A_518 = vector.shape_cast %slice3A_514 : vector<400x1xf32> to vector<400x1xf32>
    %broadcast_in_dim3A_519 = vector.broadcast %broadcast_in_dim3A_518 : vector<400x1xf32> to vector<400x400xf32>
    %broadcast_in_dim3A_520 = vector.broadcast %jit3A_517 : f32 to vector<400x400xf32>
    %select_n3A_521 = arith.select %eq3A_516, %broadcast_in_dim3A_519, %broadcast_in_dim3A_520 : vector<400x400xi1>, vector<400x400xf32>
    %reduce_sum3A_522 = arith.constant dense<0.000000e+00> : vector<400xf32>
    %reduce_sum3A_523 = vector.multi_reduction <add>, %select_n3A_521, %reduce_sum3A_522 [0] : vector<400x400xf32> to vector<400xf32>
    %broadcast_in_dim3A_524 = vector.shape_cast %reduce_sum3A_523 : vector<400xf32> to vector<1x400xf32>
    %gt3A_525 = vector.broadcast %get3A_472 : vector<1x400xf32> to vector<400x400xf32>
    %gt3A_526 = vector.broadcast %get3A_477 : vector<400x1xf32> to vector<400x400xf32>
    %gt3A_527 = arith.cmpf ogt, %gt3A_525, %gt3A_526 : vector<400x400xf32>
    %jit3A_528 = arith.constant 1 : i32
    %jit3A_529 = arith.constant 0 : i32
    %broadcast_in_dim3A_530 = vector.broadcast %jit3A_528 : i32 to vector<400x400xi32>
    %broadcast_in_dim3A_531 = vector.broadcast %jit3A_529 : i32 to vector<400x400xi32>
    %select_n3A_532 = arith.select %gt3A_527, %broadcast_in_dim3A_530, %broadcast_in_dim3A_531 : vector<400x400xi1>, vector<400x400xi32>
    %eq3A_533 = vector.broadcast %get3A_472 : vector<1x400xf32> to vector<400x400xf32>
    %eq3A_534 = vector.broadcast %get3A_477 : vector<400x1xf32> to vector<400x400xf32>
    %eq3A_535 = arith.cmpf oeq, %eq3A_533, %eq3A_534 : vector<400x400xf32>
    %lt3A_536 = arith.cmpi slt, %iota3A_484, %iota3A_483 : vector<400x400xi32>
    %and3A_537 = arith.andi %eq3A_535, %lt3A_536 : vector<400x400xi1>
    %jit3A_538 = arith.constant 1 : i32
    %jit3A_539 = arith.constant 0 : i32
    %broadcast_in_dim3A_540 = vector.broadcast %jit3A_538 : i32 to vector<400x400xi32>
    %broadcast_in_dim3A_541 = vector.broadcast %jit3A_539 : i32 to vector<400x400xi32>
    %select_n3A_542 = arith.select %and3A_537, %broadcast_in_dim3A_540, %broadcast_in_dim3A_541 : vector<400x400xi1>, vector<400x400xi32>
    %add3A_543 = arith.addi %select_n3A_532, %select_n3A_542 : vector<400x400xi32>
    %reduce_sum3A_544 = arith.constant dense<0> : vector<400xi32>
    %reduce_sum3A_545 = vector.multi_reduction <add>, %add3A_543, %reduce_sum3A_544 [1] : vector<400x400xi32> to vector<400xi32>
    %broadcast_in_dim3A_546 = vector.shape_cast %reduce_sum3A_545 : vector<400xi32> to vector<400x1xi32>
    %eq3A_547 = vector.broadcast %broadcast_in_dim3A_546 : vector<400x1xi32> to vector<400x400xi32>
    %eq3A_548 = arith.cmpi eq, %eq3A_547, %iota3A_484 : vector<400x400xi32>
    %jit3A_549 = arith.constant 0.000000e+00 : f32
    %broadcast_in_dim3A_550 = vector.shape_cast %get3A_477 : vector<400x1xf32> to vector<400x1xf32>
    %broadcast_in_dim3A_551 = vector.broadcast %broadcast_in_dim3A_550 : vector<400x1xf32> to vector<400x400xf32>
    %broadcast_in_dim3A_552 = vector.broadcast %jit3A_549 : f32 to vector<400x400xf32>
    %select_n3A_553 = arith.select %eq3A_548, %broadcast_in_dim3A_551, %broadcast_in_dim3A_552 : vector<400x400xi1>, vector<400x400xf32>
    %reduce_sum3A_554 = arith.constant dense<0.000000e+00> : vector<400xf32>
    %reduce_sum3A_555 = vector.multi_reduction <add>, %select_n3A_553, %reduce_sum3A_554 [0] : vector<400x400xf32> to vector<400xf32>
    %broadcast_in_dim3A_556 = vector.shape_cast %reduce_sum3A_555 : vector<400xf32> to vector<1x400xf32>
    %add3A_557 = arith.addf %broadcast_in_dim3A_556, %broadcast_in_dim3A_524 : vector<1x400xf32>
    %mul3A_558 = arith.constant 5.000000e-01 : f32
    %mul3A_559 = vector.broadcast %mul3A_558 : f32 to vector<1x400xf32>
    %mul3A_560 = arith.mulf %add3A_557, %mul3A_559 : vector<1x400xf32>
    %eq3A_561 = arith.cmpi eq, %iota3A_483, %iota3A_484 : vector<400x400xi32>
    %jit3A_562 = arith.constant 0.000000e+00 : f32
    %broadcast_in_dim3A_563 = vector.shape_cast %mul3A_560 : vector<1x400xf32> to vector<1x400xf32>
    %broadcast_in_dim3A_564 = vector.broadcast %broadcast_in_dim3A_563 : vector<1x400xf32> to vector<400x400xf32>
    %broadcast_in_dim3A_565 = vector.broadcast %jit3A_562 : f32 to vector<400x400xf32>
    %select_n3A_566 = arith.select %eq3A_561, %broadcast_in_dim3A_564, %broadcast_in_dim3A_565 : vector<400x400xi1>, vector<400x400xf32>
    %reduce_sum3A_567 = arith.constant dense<0.000000e+00> : vector<400xf32>
    %reduce_sum3A_568 = vector.multi_reduction <add>, %select_n3A_566, %reduce_sum3A_567 [1] : vector<400x400xf32> to vector<400xf32>
    %broadcast_in_dim3A_569 = vector.shape_cast %reduce_sum3A_568 : vector<400xf32> to vector<400x1xf32>
    %gt3A_570 = vector.broadcast %broadcast_in_dim3A_569 : vector<400x1xf32> to vector<400x400xf32>
    %gt3A_571 = vector.broadcast %mul3A_560 : vector<1x400xf32> to vector<400x400xf32>
    %gt3A_572 = arith.cmpf ogt, %gt3A_570, %gt3A_571 : vector<400x400xf32>
    %jit3A_573 = arith.constant 1 : i32
    %jit3A_574 = arith.constant 0 : i32
    %broadcast_in_dim3A_575 = vector.broadcast %jit3A_573 : i32 to vector<400x400xi32>
    %broadcast_in_dim3A_576 = vector.broadcast %jit3A_574 : i32 to vector<400x400xi32>
    %select_n3A_577 = arith.select %gt3A_572, %broadcast_in_dim3A_575, %broadcast_in_dim3A_576 : vector<400x400xi1>, vector<400x400xi32>
    %eq3A_578 = vector.broadcast %broadcast_in_dim3A_569 : vector<400x1xf32> to vector<400x400xf32>
    %eq3A_579 = vector.broadcast %mul3A_560 : vector<1x400xf32> to vector<400x400xf32>
    %eq3A_580 = arith.cmpf oeq, %eq3A_578, %eq3A_579 : vector<400x400xf32>
    %lt3A_581 = arith.cmpi slt, %iota3A_483, %iota3A_484 : vector<400x400xi32>
    %and3A_582 = arith.andi %eq3A_580, %lt3A_581 : vector<400x400xi1>
    %jit3A_583 = arith.constant 1 : i32
    %jit3A_584 = arith.constant 0 : i32
    %broadcast_in_dim3A_585 = vector.broadcast %jit3A_583 : i32 to vector<400x400xi32>
    %broadcast_in_dim3A_586 = vector.broadcast %jit3A_584 : i32 to vector<400x400xi32>
    %select_n3A_587 = arith.select %and3A_582, %broadcast_in_dim3A_585, %broadcast_in_dim3A_586 : vector<400x400xi1>, vector<400x400xi32>
    %add3A_588 = arith.addi %select_n3A_577, %select_n3A_587 : vector<400x400xi32>
    %reduce_sum3A_589 = arith.constant dense<0> : vector<400xi32>
    %reduce_sum3A_590 = vector.multi_reduction <add>, %add3A_588, %reduce_sum3A_589 [0] : vector<400x400xi32> to vector<400xi32>
    %broadcast_in_dim3A_591 = vector.shape_cast %reduce_sum3A_590 : vector<400xi32> to vector<1x400xi32>
    %eq3A_592 = vector.broadcast %broadcast_in_dim3A_591 : vector<1x400xi32> to vector<400x400xi32>
    %eq3A_593 = arith.cmpi eq, %eq3A_592, %iota3A_483 : vector<400x400xi32>
    %jit3A_594 = arith.constant 0 : i32
    %broadcast_in_dim3A_595 = vector.shape_cast %get3A_467 : vector<1x400xi32> to vector<1x400xi32>
    %broadcast_in_dim3A_596 = vector.broadcast %broadcast_in_dim3A_595 : vector<1x400xi32> to vector<400x400xi32>
    %broadcast_in_dim3A_597 = vector.broadcast %jit3A_594 : i32 to vector<400x400xi32>
    %select_n3A_598 = arith.select %eq3A_593, %broadcast_in_dim3A_596, %broadcast_in_dim3A_597 : vector<400x400xi1>, vector<400x400xi32>
    %reduce_sum3A_599 = arith.constant dense<0> : vector<400xi32>
    %reduce_sum3A_600 = vector.multi_reduction <add>, %select_n3A_598, %reduce_sum3A_599 [1] : vector<400x400xi32> to vector<400xi32>
    %broadcast_in_dim3A_601 = vector.shape_cast %reduce_sum3A_600 : vector<400xi32> to vector<400x1xi32>
    %mul3A_602 = arith.constant 4 : i32
    %mul3A_603 = arith.muli %mul3A_602, %arg0 : i32
    %add3A_604 = arith.constant 3 : i32
    %add3A_605 = arith.addi %mul3A_603, %add3A_604 : i32
    %eq3A_606 = vector.broadcast %add3A_605 : i32 to vector<400x128xi32>
    %eq3A_607 = arith.cmpi eq, %iota3A, %eq3A_606 : vector<400x128xi32>
    %jit3A_608 = arith.constant 0 : i32
    %broadcast_in_dim3A_609 = vector.shape_cast %broadcast_in_dim3A_601 : vector<400x1xi32> to vector<400x1xi32>
    %broadcast_in_dim3A_610 = vector.broadcast %broadcast_in_dim3A_609 : vector<400x1xi32> to vector<400x128xi32>
    %broadcast_in_dim3A_611 = vector.broadcast %jit3A_608 : i32 to vector<400x128xi32>
    %select_n3A_612 = arith.select %eq3A_607, %broadcast_in_dim3A_610, %broadcast_in_dim3A_611 : vector<400x128xi1>, vector<400x128xi32>
    %add3A_613 = arith.addi %add3A_457, %select_n3A_612 : vector<400x128xi32>
    %get3A_614 = arith.constant 0 : index
    %get3A_615 = arith.constant 0 : index
    %get3A_616 = vector.load %arg7[%get3A_614, %get3A_615] : memref<400x128xi32, #tpu.memory_space<vmem>>, vector<400x128xi32>
    %add3A_617 = arith.addi %get3A_616, %add3A_613 : vector<400x128xi32>
    %swap3A = arith.constant 0 : index
    %swap3A_618 = arith.constant 0 : index
    %swap3A_619 = vector.load %arg7[%swap3A, %swap3A_618] : memref<400x128xi32, #tpu.memory_space<vmem>>, vector<400x128xi32>
    tpu.vector_store %arg7[%swap3A, %swap3A_618], %add3A_617 {strides = array<i32>} : memref<400x128xi32, #tpu.memory_space<vmem>>, vector<400x128xi32>,
    %eq3A_620 = arith.constant 31 : i32
    %eq3A_621 = arith.cmpi eq, %arg0, %eq3A_620 : i32
    %convert_element_type3A_622 = arith.extui %eq3A_621 : i1 to i32
    %cond3A_623 = arith.constant 0 : i32
    %cond3A_624 = arith.cmpi ne, %convert_element_type3A_622, %cond3A_623 : i32
    scf.if %cond3A_624 {
      %get3A_625 = arith.constant 0 : index
      %get3A_626 = arith.constant 0 : index
      %get3A_627 = vector.load %arg7[%get3A_625, %get3A_626] : memref<400x128xi32, #tpu.memory_space<vmem>>, vector<400x128xi32>
      %swap3A_628 = arith.constant 0 : index
      %swap3A_629 = arith.constant 0 : index
      %swap3A_630 = vector.load %arg6[%swap3A_628, %swap3A_629] : memref<400x128xi32, #tpu.memory_space<vmem>>, vector<400x128xi32>
      tpu.vector_store %arg6[%swap3A_628, %swap3A_629], %get3A_627 {strides = array<i32>} : memref<400x128xi32, #tpu.memory_space<vmem>>, vector<400x128xi32>,
    } else {
    }
    return
  }
  func.func @transform_0(%arg0: i32) -> (i32, i32, i32) {
    %c0_i32 = arith.constant 0 : i32
    %c0_i32_0 = arith.constant 0 : i32
    %c0_i32_1 = arith.constant 0 : i32
    return %arg0, %c0_i32, %c0_i32_0 : i32, i32, i32
  }
  func.func @transform_1(%arg0: i32) -> (i32, i32, i32) {
    %c0_i32 = arith.constant 0 : i32
    %c0_i32_0 = arith.constant 0 : i32
    %c0_i32_1 = arith.constant 0 : i32
    return %arg0, %c0_i32, %c0_i32_0 : i32, i32, i32
  }
  func.func @transform_2(%arg0: i32) -> (i32, i32, i32) {
    %c0_i32 = arith.constant 0 : i32
    %c0_i32_0 = arith.constant 0 : i32
    %c0_i32_1 = arith.constant 0 : i32
    return %arg0, %c0_i32, %c0_i32_0 : i32, i32, i32
  }
  func.func @transform_3(%arg0: i32) -> (i32, i32, i32) {
    %c0_i32 = arith.constant 0 : i32
    %c0_i32_0 = arith.constant 0 : i32
    %c0_i32_1 = arith.constant 0 : i32
    return %arg0, %c0_i32, %c0_i32_0 : i32, i32, i32
  }
  func.func @transform_4(%arg0: i32) -> (i32, i32, i32) {
    %c0_i32 = arith.constant 0 : i32
    %c0_i32_0 = arith.constant 0 : i32
    %c0_i32_1 = arith.constant 0 : i32
    return %arg0, %c0_i32, %c0_i32_0 : i32, i32, i32
  }
  func.func @transform_5(%arg0: i32) -> (i32, i32) {
    %c0_i32 = arith.constant 0 : i32
    %c0_i32_0 = arith.constant 0 : i32
    %c0_i32_1 = arith.constant 0 : i32
    return %c0_i32, %c0_i32_0 : i32, i32
  }
}

module attributes {stable_mosaic.version = 14 : i64} {
  func.func @_join_body(%arg0: i32, %arg1: memref<400x128xi32, #tpu.memory_space<vmem>>, %arg2: memref<400x128xi32, #tpu.memory_space<vmem>>, %arg3: memref<400x128xi32, #tpu.memory_space<vmem>>) attributes {dimension_semantics = [#tpu.dimension_semantics<arbitrary>], iteration_bounds = array<i64: 1>, scalar_prefetch = 0 : i64, scratch_operands = 0 : i64, tpu.core_type = #tpu.core_type<tc>, window_params = [{transform_indices = @transform_0, window_bounds = array<i64: 400, 128>}, {pipeline_mode = #tpu.pipeline_mode<synchronous>, transform_indices = @transform_1, window_bounds = array<i64: 400, 128>}, {transform_indices = @transform_2, window_bounds = array<i64: 400, 128>}]} {
    %get3A = arith.constant 0 : index
    %get3A_0 = arith.constant 0 : index
    %get3A_1 = vector.load %arg2[%get3A, %get3A_0] : memref<400x128xi32, #tpu.memory_space<vmem>>, vector<400x128xi32>
    %swap3A = arith.constant 0 : index
    %swap3A_2 = arith.constant 0 : index
    %swap3A_3 = vector.load %arg3[%swap3A, %swap3A_2] : memref<400x128xi32, #tpu.memory_space<vmem>>, vector<400x128xi32>
    tpu.vector_store %arg3[%swap3A, %swap3A_2], %get3A_1 {strides = array<i32>} : memref<400x128xi32, #tpu.memory_space<vmem>>, vector<400x128xi32>,
    return
  }
  func.func @transform_0(%arg0: i32) -> (i32, i32) {
    %c0_i32 = arith.constant 0 : i32
    %c0_i32_0 = arith.constant 0 : i32
    %c0_i32_1 = arith.constant 0 : i32
    return %c0_i32, %c0_i32_0 : i32, i32
  }
  func.func @transform_1(%arg0: i32) -> (i32, i32) {
    %c0_i32 = arith.constant 0 : i32
    %c0_i32_0 = arith.constant 0 : i32
    %c0_i32_1 = arith.constant 0 : i32
    return %c0_i32, %c0_i32_0 : i32, i32
  }
  func.func @transform_2(%arg0: i32) -> (i32, i32) {
    %c0_i32 = arith.constant 0 : i32
    %c0_i32_0 = arith.constant 0 : i32
    %c0_i32_1 = arith.constant 0 : i32
    return %c0_i32, %c0_i32_0 : i32, i32
  }
}

</mosaic_0001>

<sc_bundles>
// kernel: kernel.5.cloned.1.call-start
scs
__scs_entry_jumppad:
0x0: {  	(pc) =	sbr.rel $0x88, $3  }
0x1: {  	(tag) =	ssettag $0x0;
	lr =	simm.s32 $0x1  }
0x2: {  	[smem:$0x3F9C] =	sst lr;
	_ =	strace $0xD0000000  }
0x3: {  	_ = 	snop  }
0x4: {  	_ = 	snop  }
0x5: {  	_ = 	snop  }
0x6: {  	_ = 	snop  }
0x7: {  	_ = 	snop  }
__scs_overlays_trampoline_lowered:
0x8: {  	[smem:$0x3FAB] =	sst s0  }
0x9: {  	[smem:$0x3FAC] =	sst s1  }
0xa: {  	[smem:$0x3FAD] =	sst s2  }
0xb: {  	[smem:$0x3FAE] =	sst s3  }
0xc: {  	[smem:$0x3FAF] =	sst s4  }
0xd: {  	[smem:$0x3FB0] =	sst s5  }
0xe: {  	[smem:$0x3FB1] =	sst s6  }
0xf: {  	[smem:$0x3FB2] =	sst s7  }
0x10: {  	[smem:$0x3FB3] =	sst s8  }
0x11: {  	[smem:$0x3FB4] =	sst s9;
	s0 =	simm.s32 @!p0 $0x0  }
0x12: {  	s1 =	sld [smem:$0x3F9A];
	s0 =	simm.s32 @p0 $0x1  }
0x13: {  	[smem:$0x3FB5] =	sst s0;
	s0 =	simm.s32 @!p1 $0x0  }
0x14: {  	s2 =	sld [smem:$0x3F99];
	s0 =	simm.s32 @p1 $0x1  }
0x15: {  	[smem:$0x3FB6] =	sst s0;
	s0 =	simm.s32 @!p2 $0x0  }
0x16: {  	s3 =	sld [smem:$0x3FDB];
	s0 =	simm.s32 @p2 $0x1  }
0x17: {  	s4 =	simm.s32 $0x1BF5;
	[smem:$0x3FB8] =	sst s0  }
0x18: {  	s0 =	sld [smem:$0x3F9B];
	_ =	swait.ge [sflag:s4], $0x0  }
0x19: {  	s7 =	sld [smem:$0x3F9C]  }
0x1a: {  	s8 =	sadd.s32 $0xFFFFE003, lr  }
0x1b: {  	s9 =	sadd.s32 $0xFFFFFEF7, lr;
	s5 =	simm.s32 $0xFFFFFFFF;
	p2 =	slt.u32 s8, $0xFFFFF086  }
0x1c: {  	p1 =	slt.u32 s9, $0xF7A;
	s5 =	simm.s32 @!p2 $0x0  }
0x1d: {  	s5 =	simm.s32 @p1 $0x1;
	p0 =	seq.s32 s7, s2  }
0x1e: {  	s7 =	smul.u32 @!p0 $0xF7A, s2;
	p2 =	seq.s32 @!p0 s5, $0x0  }
0x1f: {  	s9 =	smul.u32 $0xF7A, s1;
	s8 =	simm.s32 @!p0 $0x1BF5;
	p2 =	por !p2, p0  }
0x20: {  	[sflag:s8] =	ssyncset.s32 @!p0 $0xFFFFF086;
	s6 =	sadd.s32 @!p0 s3, s7;
	s7 =	simm.s32 @!p0 $0x108  }
0x21: {  	s3 =	sadd.s32 s3, s9;
	s6 =	sadd.s32 @!p0 $0x88, s6;
	s7 =	simm.s32 @p2 $0x1082  }
0x22: {  	[simem:s7], [sflag:s8] =	dma.local @!p0 [hbm:s6], $0xF7A  }
0x23: {  	s9 =	sor.u32 $0xD0000000, s2;
	s6 =	simm.s32 $0x108;
	_ =	swait.ge @!p0 [sflag:s8], $0x0  }
0x24: {  	s3 =	sadd.s32 $0x88, s3;
	s6 =	simm.s32 @!p1 $0x1082;
	[sflag:s4] =	ssyncset.s32 $0xFFFFF086  }
0x25: {  	[simem:s6], [sflag:s4] =	dma.local [hbm:s3], $0xF7A  }
0x26: {  	[smem:$0x3F9C] =	sst s1;
	(tag) =	ssettag s2;
	_ =	strace s9  }
0x27: {  	s1 =	sld [smem:$0x3FAC]  }
0x28: {  	s2 =	sld [smem:$0x3FAD]  }
0x29: {  	s4 =	sld [smem:$0x3FAF]  }
0x2a: {  	p0 =	seq.s32 s5, $0x0;
	s5 =	sld [smem:$0x3FB0]  }
0x2b: {  	s6 =	sld [smem:$0x3FB1]  }
0x2c: {  	s7 =	sld [smem:$0x3FB2]  }
0x2d: {  	s3 =	simm.s32 $0x108;
	s8 =	sld [smem:$0x3FB3]  }
0x2e: {  	s3 =	simm.s32 @!p0 $0x1082;
	s9 =	sld [smem:$0x3FB4]  }
0x2f: {  	lr =	sadd.s32 s0, s3;
	s0 =	sld [smem:$0x3FAB]  }
0x30: {  	s3 =	sld [smem:$0x3FAE]  }
0x31: {  	[smem:$0x3FB7] =	sst s10  }
0x32: {  	s10 =	sld [smem:$0x3FB5];
	_ =	sdelay $0x3  }
0x33: {  	p0 =	seq.s32 s10, $0x1;
	s10 =	sld [smem:$0x3FB7];
	_ =	sdelay $0x3  }
0x34: {  	[smem:$0x3FB7] =	sst s10  }
0x35: {  	s10 =	sld [smem:$0x3FB6];
	_ =	sdelay $0x3  }
0x36: {  	p1 =	seq.s32 s10, $0x1;
	s10 =	sld [smem:$0x3FB7];
	_ =	sdelay $0x3  }
0x37: {  	[smem:$0x3FB7] =	sst s10  }
0x38: {  	s10 =	sld [smem:$0x3FB8]  }
0x39: {  	_ = 	snop;
	(pc) =	sbr.ind lr, $3  }
0x3a: {  	_ = 	snop  }
0x3b: {  	_ = 	snop  }
0x3c: {  	p2 =	seq.s32 s10, $0x1;
	s10 =	sld [smem:$0x3FB7]  }
0x3d: {  	_ =	shalt  }
0x3e: {  	_ =	shalt  }
0x3f: {  	_ =	shalt  }
0x40: {  	_ =	shalt  }
0x41: {  	_ =	shalt  }
0x42: {  	_ =	shalt  }
0x43: {  	_ =	shalt  }
0x44: {  	_ =	shalt  }
0x45: {  	_ =	shalt  }
0x46: {  	_ =	shalt  }
0x47: {  	_ =	shalt  }
0x48: {  	_ =	shalt  }
0x49: {  	_ =	shalt  }
0x4a: {  	_ =	shalt  }
0x4b: {  	_ =	shalt  }
0x4c: {  	_ =	shalt  }
0x4d: {  	_ =	shalt  }
0x4e: {  	_ =	shalt  }
0x4f: {  	_ =	shalt  }
0x50: {  	_ =	shalt  }
0x51: {  	_ =	shalt  }
0x52: {  	_ =	shalt  }
0x53: {  	_ =	shalt  }
0x54: {  	_ =	shalt  }
0x55: {  	_ =	shalt  }
0x56: {  	_ =	shalt  }
0x57: {  	_ =	shalt  }
0x58: {  	_ =	shalt  }
0x59: {  	_ =	shalt  }
0x5a: {  	_ =	shalt  }
0x5b: {  	_ =	shalt  }
0x5c: {  	_ =	shalt  }
0x5d: {  	_ =	shalt  }
0x5e: {  	_ =	shalt  }
0x5f: {  	_ =	shalt  }
0x60: {  	_ =	shalt  }
0x61: {  	_ =	shalt  }
0x62: {  	_ =	shalt  }
0x63: {  	_ =	shalt  }
0x64: {  	_ =	shalt  }
0x65: {  	_ =	shalt  }
0x66: {  	_ =	shalt  }
0x67: {  	_ =	shalt  }
0x68: {  	_ =	shalt  }
0x69: {  	_ =	shalt  }
0x6a: {  	_ =	shalt  }
0x6b: {  	_ =	shalt  }
0x6c: {  	_ =	shalt  }
0x6d: {  	_ =	shalt  }
0x6e: {  	_ =	shalt  }
0x6f: {  	_ =	shalt  }
0x70: {  	_ =	shalt  }
0x71: {  	_ =	shalt  }
0x72: {  	_ =	shalt  }
0x73: {  	_ =	shalt  }
0x74: {  	_ =	shalt  }
0x75: {  	_ =	shalt  }
0x76: {  	_ =	shalt  }
0x77: {  	_ =	shalt  }
0x78: {  	_ =	shalt  }
0x79: {  	_ =	shalt  }
0x7a: {  	_ =	shalt  }
0x7b: {  	_ =	shalt  }
0x7c: {  	_ =	shalt  }
0x7d: {  	_ =	shalt  }
0x7e: {  	_ =	shalt  }
0x7f: {  	_ =	shalt  }
0x80: {  	_ =	shalt  }
0x81: {  	_ =	shalt  }
0x82: {  	_ =	shalt  }
0x83: {  	_ =	shalt  }
0x84: {  	_ =	shalt  }
0x85: {  	_ =	shalt  }
0x86: {  	_ =	shalt  }
0x87: {  	_ =	shalt  }
.Lfunc_end0:
.L_simem_size_0:
called_computation_lowered:
.L_overlay_start_0:
0x88: {  	s0 =	sld [smem:$0x3FD9]  }
0x89: {  	s1 =	sld [smem:$0x3FFE];
	_ =	sdelay $0x1  }
0x8a: {  	s2 =	srdreg.scid  }
0x8b: {  	s3 =	sand.u32 $0x1, s2  }
0x8c: {  	s22 =	sshll.u32 s3, $0xA;
	s0 =	sadd.s32 s1, s0  }
0x8d: {  	s0 =	sadd.s32 s0, s22  }
0x8e: {  	s4 =	simm.s32 $0x0;
	[smem:$0x3FC3] =	sst s0  }
0x8f: {  	[smem:$0xF] =	sst s4  }
0x90: {  	s0 =	sld [smem:$0x3FC9]  }
0x91: {  	s23 =	sld [smem:$0x3FD0];
	(tm) =	ssettm $0x1  }
0x92: {  	s24 =	sld [smem:$0x3FFB];
	_ =	sdelay $0x3  }
0x93: {  	_ =	strace s24  }
0x94: {  	s4 =	sld [smem:$0x3FFC];
	_ =	sdelay $0x3  }
0x95: {  	_ =	strace s4  }
0x96: {  	s4 =	sld [smem:$0x3FFD];
	_ =	sdelay $0x3  }
0x97: {  	_ =	strace s4  }
0x98: {  	s25 =	simm.s32 $0x1B8B;
	_ =	strace $0x8FFFFFFF  }
0x99: {  	s5 =	smul.u32 $0x614400, s3;
	_ =	swait.ge [sflag:s25], $0x1  }
0x9a: {  	[sflag:s25] =	ssyncset.done $0x0  }
0x9b: {  	s26 =	simm.s32 $0x1B8E;
	s28 =	sshrl.u32 s5, $0x3;
	[sflag:s25] =	ssyncadd.s32 $0xFFFFFFFF  }
0x9c: {  	s29 =	simm.s32 $0x9;
	s4 =	sadd.s32 $0x1900, s28;
	[smem:$0x3FD2] =	sst s26  }
0x9d: {  	s0 =	sadd.s32 s4, s0;
	s1 =	sadd.s32 s4, s23;
	_ =	strace $0x80000046  }
0x9e: {  	[hbm:s1], [sflag:s29] =	dma.local [hbm:s0], $0xC2880  }
0x9f: {  	_ =	swait.ge [sflag:s29], $0xC2880  }
0xa0: {  	[sflag:s29] =	ssyncset.done $0x0  }
0xa1: {  	[sflag:s29] =	ssyncadd.s32 $0xFFF3D780  }
0xa2: {  	_ =	strace $0x90000046  }
0xa3: {  	_ =	sfence  }
0xa4: {  	s30 =	sld [smem:$0x0];
	_ =	sdelay $0x2  }
0xa5: {  	s31 =	sshll.u32 s2, $0xD;
	s2 =	sshrl.u32 s2, $0x2  }
0xa6: {  	s1 =	sand.u32 $0x4000, s31;
	s0 =	sadd.s32 s2, s30  }
0xa7: {  	s1 =	sor.u32 s1, s3;
	s0 =	sshll.u32 s0, $0x11  }
0xa8: {  	s0 =	sor.u32 s0, s1  }
0xa9: {  	s0 =	sadd.s32 $0x8F2B, s0;
	(pc) =	sbr.abs _section_cstart, $3  }
0xaa: {  	[sflag:s0] =	ssyncadd.remote.s32 $0x1  }
0xab: {  	_ =	strace $0x9FFFFFFF  }
0xac: {  	(tm) =	ssettm $0x7FFFFFFF  }
0xad: {  	_ =	shalt  }

</sc_bundles>
